<compile_context>
chip_gen: v7x
topology: tpu7x:2x2x1
jax: 0.10.2.dev20260603
libtpu: 0.0.44.dev20260713+nightly
codegen_flags: <defaults>
</compile_context>

<pallas_src>
import functools

import jax
import jax.numpy as jnp
import numpy as np
from jax import lax
from jax.experimental import pallas as pl
from jax.experimental.pallas import tpu as pltpu
from jax.experimental.pallas import tpu_sc as plsc

N = 1024
E = N * (N - 1) // 2
NC, NS, L = 2, 16, 16
NW = NC * NS
SLAB = 16
ROW_W = 2 * N
DP_ROWS = N + SLAB

NBLOCKS = E // 128
_ROW_COST = 400
_tri = (np.arange(N, dtype=np.int64) * (np.arange(N, dtype=np.int64) - 1)) // 2
_UNIT = 2048
_u_end = np.minimum(np.arange(1, (E + _UNIT - 1) // _UNIT + 1) * _UNIT, E)
_cost = _u_end + _ROW_COST * np.searchsorted(_tri, _u_end, side="left")
_targets = _cost[-1] * (np.arange(1, NW + 1) / NW)
_cuts = np.searchsorted(_cost, _targets, side="left")
_cuts[-1] = len(_u_end) - 1
_cuts = np.maximum.accumulate(np.minimum(_cuts, len(_u_end) - 1))
for _w in range(1, NW):
    if _cuts[_w] <= _cuts[_w - 1]:
        _cuts[_w] = _cuts[_w - 1] + 1
_ends = _u_end[_cuts]
_starts = np.concatenate([[0], _ends[:-1]])
_CNT = (_ends - _starts).astype(np.int32)
_BS = (_starts // 128).astype(np.int32)
MAX_BLK = int(np.max((_CNT + 127) // 128))
_ROW0 = (np.searchsorted(_tri, _starts, side="right") - 1).astype(np.int32)
_COL0 = (_starts - _tri[_ROW0]).astype(np.int32)


def _stage1_body(x_ref, cen_ref, w1s_ref, w1n_ref, b1_ref, w2s_ref, w2n_ref,
                 b2_ref, wm1_ref, bm1_ref, wm2_ref, bm2_ref, dp_ref, b_s_ref):
    f32 = jnp.float32
    x = x_ref[...]
    cen = cen_ref[...]
    nrm = jnp.sqrt(jnp.sum(x * x, axis=1, keepdims=True))
    fn = x / jnp.maximum(nrm, 1e-12)
    h = jnp.concatenate([x, cen], axis=1)

    rj = lax.broadcasted_iota(jnp.int32, (N, N), 0)
    ci = lax.broadcasted_iota(jnp.int32, (N, N), 1)
    U = (ci > rj).astype(f32)

    g = x * fn
    agg32 = fn * jnp.dot(U, g, preferred_element_type=f32)

    cenT = cen.T
    parts = []
    for kk in range(3):
        cj = cen[:, kk:kk + 1]
        cirow = cenT[kk:kk + 1, :]
        w = jnp.abs(cj - cirow) * cirow * U
        parts.append(jnp.sum(w, axis=1, keepdims=True))
    agg3 = jnp.concatenate(parts, axis=1)

    agg = jnp.concatenate([agg32, agg3], axis=1)
    deg = (N - 1.0) - lax.broadcasted_iota(jnp.int32, (N, 1), 0).astype(f32)
    invdeg = 1.0 / jnp.maximum(deg, 1.0)
    hn1 = agg * invdeg
    h1 = (jnp.dot(h, w1s_ref[...], preferred_element_type=f32)
          + jnp.dot(hn1, w1n_ref[...], preferred_element_type=f32)
          + b1_ref[...][None, :])

    agg2 = jnp.dot(U, h1, preferred_element_type=f32)
    hn2 = agg2 * invdeg
    h2 = (jnp.dot(h1, w2s_ref[...], preferred_element_type=f32)
          + jnp.dot(hn2, w2n_ref[...], preferred_element_type=f32)
          + b2_ref[...][None, :])

    wm1 = wm1_ref[...]
    a_mat = jnp.dot(h2, wm1[:32, :], preferred_element_type=f32) + bm1_ref[...][None, :]
    b_mat = jnp.dot(h2, wm1[32:, :], preferred_element_type=f32)
    at = a_mat.T
    b_s_ref[...] = b_mat
    w2t = wm2_ref[...].T
    bm2c = bm2_ref[...][:, None]

    def i_body(i, carry):
        bcol = b_s_ref[pl.ds(i, 1), :].T
        t = jnp.maximum(at + bcol, 0.0)
        d = jnp.dot(w2t, t, preferred_element_type=jnp.float32) + bm2c
        d = jnp.maximum(d, 0.0)
        dp_ref[pl.ds(i * ROW_W, N)] = d[0]
        dp_ref[pl.ds(i * ROW_W + N, N)] = d[1]
        return carry

    lax.fori_loop(0, N, i_body, jnp.int32(0))


def _stage2_body(dp_hbm, row0_hbm, col0_hbm, cnt_hbm, bs_hbm, out_hbm,
                 slab_v, row0_v, col0_v, cnt_v, bs_v, out_v, sem):
    i32 = jnp.int32
    wid = lax.axis_index("s") * NC + lax.axis_index("c")
    descs = [pltpu.async_copy(src, dst, sem)
             for src, dst in ((row0_hbm, row0_v), (col0_hbm, col0_v),
                              (cnt_hbm, cnt_v), (bs_hbm, bs_v))]
    for d in descs:
        d.wait()

    def splat(v):
        return jnp.full((L,), v, i32)

    widv = splat(wid)
    i0 = jnp.max(plsc.load_gather(row0_v, [widv]))
    j0 = jnp.max(plsc.load_gather(col0_v, [widv]))
    cnt = jnp.max(plsc.load_gather(cnt_v, [widv]))
    bstart = jnp.max(plsc.load_gather(bs_v, [widv]))
    lane = lax.iota(i32, L)

    pltpu.sync_copy(dp_hbm.at[pl.ds(i0 * ROW_W, SLAB * ROW_W)],
                    slab_v.at[pl.ds(0, SLAB * ROW_W)])

    def row_body(state):
        i, jcur, ec, rstart = state
        adv = i >= rstart + SLAB
        rstart = jnp.where(adv, rstart + SLAB, rstart)

        @pl.when(adv)
        def _():
            pltpu.sync_copy(dp_hbm.at[pl.ds(rstart * ROW_W, SLAB * ROW_W)],
                            slab_v.at[pl.ds(0, SLAB * ROW_W)])

        seg = jnp.minimum(i - jcur, cnt - ec)
        lead = jcur & (L - 1)
        base = jcur - lead
        nch = (lead + seg + (L - 1)) // L
        rbase = (i - rstart) * ROW_W

        def ch_body(c, carry):
            off = base + c * L
            jj = off + lane
            m = (jj >= jcur) & (jj - jcur < seg)
            l = jnp.maximum(ec + jj - jcur, 0)
            idx0 = ((l >> 7) << 8) + (l & 127)
            v0 = slab_v[pl.ds(rbase + off, L)]
            v1 = slab_v[pl.ds(rbase + N + off, L)]
            plsc.store_scatter(out_v, [idx0], v0, mask=m)
            plsc.store_scatter(out_v, [idx0 + 128], v1, mask=m)
            return carry

        lax.fori_loop(0, nch, ch_body, jnp.int32(0))
        jn = jcur + seg
        done_row = jn >= i
        return (jnp.where(done_row, i + 1, i),
                jnp.where(done_row, 0, jn),
                ec + seg, rstart)

    lax.while_loop(lambda s: s[2] < cnt, row_body,
                   (i0, j0, jnp.int32(0), i0))

    base = bstart * 256
    nfull = cnt >> 11

    def dma_fire(c, carry):
        pltpu.async_copy(out_v.at[pl.ds(c * 4096, 4096)],
                         out_hbm.at[pl.ds(base + c * 4096, 4096)], sem)
        return carry

    lax.fori_loop(0, nfull, dma_fire, jnp.int32(0))

    @pl.when((cnt & 2047) != 0)
    def _():
        pltpu.async_copy(out_v.at[pl.ds(nfull * 4096, 3072)],
                         out_hbm.at[pl.ds(base + nfull * 4096, 3072)], sem)

    def dma_drain(c, carry):
        pltpu.make_async_copy(out_v.at[pl.ds(c * 4096, 4096)],
                              out_hbm.at[pl.ds(base + c * 4096, 4096)],
                              sem).wait()
        return carry

    lax.fori_loop(0, nfull, dma_drain, jnp.int32(0))

    @pl.when((cnt & 2047) != 0)
    def _():
        pltpu.make_async_copy(out_v.at[pl.ds(nfull * 4096, 3072)],
                              out_hbm.at[pl.ds(base + nfull * 4096, 3072)],
                              sem).wait()


@jax.jit
def kernel(x, centroids, W1_self, W1_neigh, b1, W2_self, W2_neigh, b2,
           Wm1, bm1, Wm2, bm2):
    f32 = jnp.float32
    dp = pl.pallas_call(
        _stage1_body,
        out_shape=jax.ShapeDtypeStruct((DP_ROWS * ROW_W,), f32),
        scratch_shapes=[pltpu.VMEM((N, 32), f32)],
    )(x, centroids, W1_self, W1_neigh, b1, W2_self, W2_neigh, b2,
      Wm1, bm1, Wm2, bm2)

    mesh = plsc.VectorSubcoreMesh(core_axis_name="c", subcore_axis_name="s")
    stage2 = functools.partial(
        pl.kernel,
        out_type=jax.ShapeDtypeStruct((2 * E,), f32),
        mesh=mesh,
        compiler_params=pltpu.CompilerParams(needs_layout_passes=False),
        scratch_types=[
            pltpu.VMEM((SLAB * ROW_W + 256,), f32),
            pltpu.VMEM((NW,), jnp.int32),
            pltpu.VMEM((NW,), jnp.int32),
            pltpu.VMEM((NW,), jnp.int32),
            pltpu.VMEM((NW,), jnp.int32),
            pltpu.VMEM((MAX_BLK * 256,), f32),
            pltpu.SemaphoreType.DMA,
        ],
    )(_stage2_body)
    flat = stage2(dp, jnp.asarray(_ROW0), jnp.asarray(_COL0),
                  jnp.asarray(_CNT), jnp.asarray(_BS))
    return flat.reshape(E // 128, 2, 128).transpose(0, 2, 1).reshape(E, 2)

# --- scband reference (transcript-rebuilt; emitter-appended) ---
"""Pipeline reference for scband-edge-net-21157008900557 (READ-ONLY COPY).

The authoritative reference and input builder live on the scoring server;
editing this copy changes nothing except your own understanding.
"""

import jax, jax.numpy as jnp
import numpy as np

N = 1024

def _edges(n):
    r, c = np.tril_indices(n, 0)
    m = r != c
    return r[m].astype(np.int32), c[m].astype(np.int32)

def setup_inputs(seed: int = 0):
    key = jax.random.key(seed)
    ks = jax.random.split(key, 12)
    def rn(k, shape, scale=0.1):
        return jax.random.normal(k, shape, dtype=jnp.float32) * scale
    return {
        "x": jax.random.normal(ks[0], (N, 32), dtype=jnp.float32),
        "centroids": jax.random.normal(ks[1], (N, 3), dtype=jnp.float32),
        "W1_self": rn(ks[2], (35, 64)),
        "W1_neigh": rn(ks[3], (35, 64)),
        "b1": jnp.zeros((64,), jnp.float32),
        "W2_self": rn(ks[4], (64, 32)),
        "W2_neigh": rn(ks[5], (64, 32)),
        "b2": jnp.zeros((32,), jnp.float32),
        "Wm1": rn(ks[6], (64, 32)),
        "bm1": jnp.zeros((32,), jnp.float32),
        "Wm2": rn(ks[7], (32, 2)),
        "bm2": jnp.zeros((2,), jnp.float32),
    }

def _normalize(v, eps=1e-12):
    n = jnp.linalg.norm(v, axis=-1, keepdims=True)
    return v / jnp.maximum(n, eps)

def _sage(h, src, dst, n, W_self, W_neigh, b, ew=None):
    # DGL SAGEConv 'mean': mean-aggregate (optionally edge-weighted) src feats into dst,
    # then fc_neigh(agg) + fc_self(h) + bias
    m = h[src]
    if ew is not None:
        m = m * ew
    agg = jnp.zeros((n, h.shape[-1]), h.dtype).at[dst].add(m)
    deg = jnp.zeros((n,), h.dtype).at[dst].add(1.0)
    h_neigh = agg / jnp.maximum(deg, 1.0)[:, None]
    return h @ W_self + h_neigh @ W_neigh + b

def reference(x, centroids, W1_self, W1_neigh, b1, W2_self, W2_neigh, b2, Wm1, bm1, Wm2, bm2):
    n = x.shape[0]
    rows_np, cols_np = _edges(n)
    rows = jnp.asarray(rows_np)
    cols = jnp.asarray(cols_np)
    # embed_handcalc -> pyramid_index: edge e=(i=rows,j=cols) gets
    # normalize(f[j])*normalize(f[i]) concat |c[j]-c[i]|
    fn = _normalize(x)
    ew = jnp.concatenate([fn[cols] * fn[rows], jnp.abs(centroids[cols] - centroids[rows])], axis=-1)
    h = jnp.concatenate([x, centroids], axis=1)  # [n, 35]
    # graph: edges rows -> cols (src=rows, dst=cols)
    h = _sage(h, rows, cols, n, W1_self, W1_neigh, b1, ew=ew)
    h = _sage(h, rows, cols, n, W2_self, W2_neigh, b2)
    # get_concat_features -> pyramid_index: concat(x[cols], x[rows])
    ef = jnp.concatenate([h[cols], h[rows]], axis=-1)  # [E, 64]
    out = jax.nn.relu(ef @ Wm1 + bm1)
    out = jax.nn.relu(out @ Wm2 + bm2)
    return out

if __name__ == "__main__":
    import jax
    _d = setup_inputs()
    print(jax.jit(kernel)(*tuple(_d.values())))

</pallas_src>

<mosaic_0001>
#map = affine_map<(d0, d1) -> (0)>
module attributes {stable_mosaic.version = 14 : i64} {
  func.func @_stage2_body(%arg0: i32, %arg1: i32, %arg2: memref<2129920xf32, #tpu.memory_space<hbm>>, %arg3: memref<32xi32, #tpu.memory_space<hbm>>, %arg4: memref<32xi32, #tpu.memory_space<hbm>>, %arg5: memref<32xi32, #tpu.memory_space<hbm>>, %arg6: memref<32xi32, #tpu.memory_space<hbm>>, %arg7: memref<1047552xf32, #tpu.memory_space<hbm>>, %arg8: memref<33024xf32, #tpu.memory_space<vmem>>, %arg9: memref<32xi32, #tpu.memory_space<vmem>>, %arg10: memref<32xi32, #tpu.memory_space<vmem>>, %arg11: memref<32xi32, #tpu.memory_space<vmem>>, %arg12: memref<32xi32, #tpu.memory_space<vmem>>, %arg13: memref<40960xf32, #tpu.memory_space<vmem>>, %arg14: memref<!tpu.dma_semaphore, #tpu.memory_space<semaphore_mem>>) attributes {dimension_semantics = [#tpu.dimension_semantics<core_parallel>, #tpu.dimension_semantics<subcore_parallel>], iteration_bounds = array<i64: 2, 16>, scalar_prefetch = 0 : i64, scratch_operands = 7 : i64, tpu.core_type = #tpu.core_type<sc_vector_subcore>, window_params = [{transform_indices = #map}, {transform_indices = #map}, {transform_indices = #map}, {transform_indices = #map}, {transform_indices = #map}, {transform_indices = #map}]} {
    %mul3A = arith.constant 2 : i32
    %mul3A_0 = arith.muli %arg1, %mul3A : i32
    %add3A = arith.addi %mul3A_0, %arg0 : i32
    tpu.enqueue_dma source(%arg3 : memref<32xi32, #tpu.memory_space<hbm>>) target(%arg9 : memref<32xi32, #tpu.memory_space<vmem>>) target_semaphore(%arg14 : memref<!tpu.dma_semaphore, #tpu.memory_space<semaphore_mem>>)
    tpu.enqueue_dma source(%arg4 : memref<32xi32, #tpu.memory_space<hbm>>) target(%arg10 : memref<32xi32, #tpu.memory_space<vmem>>) target_semaphore(%arg14 : memref<!tpu.dma_semaphore, #tpu.memory_space<semaphore_mem>>)
    tpu.enqueue_dma source(%arg5 : memref<32xi32, #tpu.memory_space<hbm>>) target(%arg11 : memref<32xi32, #tpu.memory_space<vmem>>) target_semaphore(%arg14 : memref<!tpu.dma_semaphore, #tpu.memory_space<semaphore_mem>>)
    tpu.enqueue_dma source(%arg6 : memref<32xi32, #tpu.memory_space<hbm>>) target(%arg12 : memref<32xi32, #tpu.memory_space<vmem>>) target_semaphore(%arg14 : memref<!tpu.dma_semaphore, #tpu.memory_space<semaphore_mem>>)
    tpu.wait_dma2 semaphore(%arg14 : memref<!tpu.dma_semaphore, #tpu.memory_space<semaphore_mem>>) src(%arg3 : memref<32xi32, #tpu.memory_space<hbm>>) dst(%arg9 : memref<32xi32, #tpu.memory_space<vmem>>)
    tpu.wait_dma2 semaphore(%arg14 : memref<!tpu.dma_semaphore, #tpu.memory_space<semaphore_mem>>) src(%arg4 : memref<32xi32, #tpu.memory_space<hbm>>) dst(%arg10 : memref<32xi32, #tpu.memory_space<vmem>>)
    tpu.wait_dma2 semaphore(%arg14 : memref<!tpu.dma_semaphore, #tpu.memory_space<semaphore_mem>>) src(%arg5 : memref<32xi32, #tpu.memory_space<hbm>>) dst(%arg11 : memref<32xi32, #tpu.memory_space<vmem>>)
    tpu.wait_dma2 semaphore(%arg14 : memref<!tpu.dma_semaphore, #tpu.memory_space<semaphore_mem>>) src(%arg6 : memref<32xi32, #tpu.memory_space<hbm>>) dst(%arg12 : memref<32xi32, #tpu.memory_space<vmem>>)
    %broadcast_in_dim3A = vector.broadcast %add3A : i32 to vector<16xi32>
    %gather3A = tpu.vector_load_idx %arg9[%broadcast_in_dim3A] : memref<32xi32, #tpu.memory_space<vmem>>[vector<16xi32>], vector<16xi32>,
    %reduce_max3A = arith.constant true
    %reduce_max3A_1 = vector.broadcast %reduce_max3A : i1 to vector<16xi1>
    %reduce_max3A_2 = arith.constant -2147483648 : i32
    %reduce_max3A_3 = vector.broadcast %reduce_max3A_2 : i32 to vector<16xi32>
    %reduce_max3A_4 = arith.xori %gather3A, %reduce_max3A_3 : vector<16xi32>
    %reduce_max3A_5 = tpu.scan <max>, %reduce_max3A_4 masked %reduce_max3A_1 : vector<16xi32>, vector<16xi1> -> vector<16xi32>
    %reduce_max3A_6 = arith.xori %reduce_max3A_5, %reduce_max3A_3 : vector<16xi32>
    %reduce_max3A_7 = vector.extract %reduce_max3A_6[15] : i32 from vector<16xi32>
    %gather3A_8 = tpu.vector_load_idx %arg10[%broadcast_in_dim3A] : memref<32xi32, #tpu.memory_space<vmem>>[vector<16xi32>], vector<16xi32>,
    %reduce_max3A_9 = arith.constant true
    %reduce_max3A_10 = vector.broadcast %reduce_max3A_9 : i1 to vector<16xi1>
    %reduce_max3A_11 = arith.constant -2147483648 : i32
    %reduce_max3A_12 = vector.broadcast %reduce_max3A_11 : i32 to vector<16xi32>
    %reduce_max3A_13 = arith.xori %gather3A_8, %reduce_max3A_12 : vector<16xi32>
    %reduce_max3A_14 = tpu.scan <max>, %reduce_max3A_13 masked %reduce_max3A_10 : vector<16xi32>, vector<16xi1> -> vector<16xi32>
    %reduce_max3A_15 = arith.xori %reduce_max3A_14, %reduce_max3A_12 : vector<16xi32>
    %reduce_max3A_16 = vector.extract %reduce_max3A_15[15] : i32 from vector<16xi32>
    %gather3A_17 = tpu.vector_load_idx %arg11[%broadcast_in_dim3A] : memref<32xi32, #tpu.memory_space<vmem>>[vector<16xi32>], vector<16xi32>,
    %reduce_max3A_18 = arith.constant true
    %reduce_max3A_19 = vector.broadcast %reduce_max3A_18 : i1 to vector<16xi1>
    %reduce_max3A_20 = arith.constant -2147483648 : i32
    %reduce_max3A_21 = vector.broadcast %reduce_max3A_20 : i32 to vector<16xi32>
    %reduce_max3A_22 = arith.xori %gather3A_17, %reduce_max3A_21 : vector<16xi32>
    %reduce_max3A_23 = tpu.scan <max>, %reduce_max3A_22 masked %reduce_max3A_19 : vector<16xi32>, vector<16xi1> -> vector<16xi32>
    %reduce_max3A_24 = arith.xori %reduce_max3A_23, %reduce_max3A_21 : vector<16xi32>
    %reduce_max3A_25 = vector.extract %reduce_max3A_24[15] : i32 from vector<16xi32>
    %gather3A_26 = tpu.vector_load_idx %arg12[%broadcast_in_dim3A] : memref<32xi32, #tpu.memory_space<vmem>>[vector<16xi32>], vector<16xi32>,
    %reduce_max3A_27 = arith.constant true
    %reduce_max3A_28 = vector.broadcast %reduce_max3A_27 : i1 to vector<16xi1>
    %reduce_max3A_29 = arith.constant -2147483648 : i32
    %reduce_max3A_30 = vector.broadcast %reduce_max3A_29 : i32 to vector<16xi32>
    %reduce_max3A_31 = arith.xori %gather3A_26, %reduce_max3A_30 : vector<16xi32>
    %reduce_max3A_32 = tpu.scan <max>, %reduce_max3A_31 masked %reduce_max3A_28 : vector<16xi32>, vector<16xi1> -> vector<16xi32>
    %reduce_max3A_33 = arith.xori %reduce_max3A_32, %reduce_max3A_30 : vector<16xi32>
    %reduce_max3A_34 = vector.extract %reduce_max3A_33[15] : i32 from vector<16xi32>
    %iota3A = tpu.iota {dimensions = array<i32: 0>} : vector<16xi32>
    %mul3A_35 = arith.constant 2048 : i32
    %mul3A_36 = arith.muli %reduce_max3A_7, %mul3A_35 : i32
    "tpu.region"() ({
      %run_scoped3A = tpu.sem_alloc : memref<!tpu.dma_semaphore, #tpu.memory_space<semaphore_mem>>
      %dma_start3A = arith.constant 0 : i32
      %dma_start3A_71 = tpu.memref_slice %arg8[%dma_start3A] : memref<33024xf32, #tpu.memory_space<vmem>> -> memref<32768xf32, #tpu.memory_space<vmem>>
      %dma_start3A_72 = tpu.memref_slice %arg2[%mul3A_36] : memref<2129920xf32, #tpu.memory_space<hbm>> -> memref<32768xf32, #tpu.memory_space<hbm>>
      %dma_start3A_73 = arith.constant 0 : i32
      %dma_start3A_74 = tpu.memref_slice %arg8[%dma_start3A_73] : memref<33024xf32, #tpu.memory_space<vmem>> -> memref<32768xf32, #tpu.memory_space<vmem>>
      %dma_start3A_75 = tpu.memref_slice %arg2[%mul3A_36] : memref<2129920xf32, #tpu.memory_space<hbm>> -> memref<32768xf32, #tpu.memory_space<hbm>>
      tpu.enqueue_dma source(%dma_start3A_75 : memref<32768xf32, #tpu.memory_space<hbm>>) target(%dma_start3A_74 : memref<32768xf32, #tpu.memory_space<vmem>>) target_semaphore(%run_scoped3A : memref<!tpu.dma_semaphore, #tpu.memory_space<semaphore_mem>>)
      %dma_wait3A = arith.constant 0 : i32
      %dma_wait3A_76 = tpu.memref_slice %arg8[%dma_wait3A] : memref<33024xf32, #tpu.memory_space<vmem>> -> memref<32768xf32, #tpu.memory_space<vmem>>
      %dma_wait3A_77 = tpu.memref_slice %arg2[%mul3A_36] : memref<2129920xf32, #tpu.memory_space<hbm>> -> memref<32768xf32, #tpu.memory_space<hbm>>
      %dma_wait3A_78 = arith.constant 0 : i32
      %dma_wait3A_79 = tpu.memref_slice %arg8[%dma_wait3A_78] : memref<33024xf32, #tpu.memory_space<vmem>> -> memref<32768xf32, #tpu.memory_space<vmem>>
      %dma_wait3A_80 = tpu.memref_slice %arg2[%mul3A_36] : memref<2129920xf32, #tpu.memory_space<hbm>> -> memref<32768xf32, #tpu.memory_space<hbm>>
      tpu.wait_dma2 semaphore(%run_scoped3A : memref<!tpu.dma_semaphore, #tpu.memory_space<semaphore_mem>>) src(%dma_wait3A_80 : memref<32768xf32, #tpu.memory_space<hbm>>) dst(%dma_wait3A_79 : memref<32768xf32, #tpu.memory_space<vmem>>)
      tpu.yield
    }) : () -> ()
    %while3A = arith.constant 0 : i32
    %while3A_37:4 = scf.while (%while3A_71 = %reduce_max3A_7, %while3A_72 = %reduce_max3A_16, %while3A_73 = %while3A, %while3A_74 = %reduce_max3A_7) : (i32, i32, i32, i32) -> (i32, i32, i32, i32) {
      %lt3A = arith.cmpi slt, %while3A_73, %reduce_max3A_25 : i32
      scf.condition(%lt3A) %while3A_71, %while3A_72, %while3A_73, %while3A_74 : i32, i32, i32, i32
    } do {
    ^bb0(%while3A_71: i32, %while3A_72: i32, %while3A_73: i32, %while3A_74: i32):
      %add3A_75 = arith.constant 16 : i32
      %add3A_76 = arith.addi %while3A_74, %add3A_75 : i32
      %ge3A = arith.cmpi sge, %while3A_71, %add3A_76 : i32
      %add3A_77 = arith.constant 16 : i32
      %add3A_78 = arith.addi %while3A_74, %add3A_77 : i32
      %select_n3A = arith.select %ge3A, %add3A_78, %while3A_74 : i32
      %convert_element_type3A_79 = arith.extui %ge3A : i1 to i32
      %cond3A_80 = arith.constant 0 : i32
      %cond3A_81 = arith.cmpi ne, %convert_element_type3A_79, %cond3A_80 : i32
      scf.if %cond3A_81 {
        %mul3A_130 = arith.constant 2048 : i32
        %mul3A_131 = arith.muli %select_n3A, %mul3A_130 : i32
        "tpu.region"() ({
          %run_scoped3A = tpu.sem_alloc : memref<!tpu.dma_semaphore, #tpu.memory_space<semaphore_mem>>
          %dma_start3A = arith.constant 0 : i32
          %dma_start3A_132 = tpu.memref_slice %arg8[%dma_start3A] : memref<33024xf32, #tpu.memory_space<vmem>> -> memref<32768xf32, #tpu.memory_space<vmem>>
          %dma_start3A_133 = tpu.memref_slice %arg2[%mul3A_131] : memref<2129920xf32, #tpu.memory_space<hbm>> -> memref<32768xf32, #tpu.memory_space<hbm>>
          %dma_start3A_134 = arith.constant 0 : i32
          %dma_start3A_135 = tpu.memref_slice %arg8[%dma_start3A_134] : memref<33024xf32, #tpu.memory_space<vmem>> -> memref<32768xf32, #tpu.memory_space<vmem>>
          %dma_start3A_136 = tpu.memref_slice %arg2[%mul3A_131] : memref<2129920xf32, #tpu.memory_space<hbm>> -> memref<32768xf32, #tpu.memory_space<hbm>>
          tpu.enqueue_dma source(%dma_start3A_136 : memref<32768xf32, #tpu.memory_space<hbm>>) target(%dma_start3A_135 : memref<32768xf32, #tpu.memory_space<vmem>>) target_semaphore(%run_scoped3A : memref<!tpu.dma_semaphore, #tpu.memory_space<semaphore_mem>>)
          %dma_wait3A = arith.constant 0 : i32
          %dma_wait3A_137 = tpu.memref_slice %arg8[%dma_wait3A] : memref<33024xf32, #tpu.memory_space<vmem>> -> memref<32768xf32, #tpu.memory_space<vmem>>
          %dma_wait3A_138 = tpu.memref_slice %arg2[%mul3A_131] : memref<2129920xf32, #tpu.memory_space<hbm>> -> memref<32768xf32, #tpu.memory_space<hbm>>
          %dma_wait3A_139 = arith.constant 0 : i32
          %dma_wait3A_140 = tpu.memref_slice %arg8[%dma_wait3A_139] : memref<33024xf32, #tpu.memory_space<vmem>> -> memref<32768xf32, #tpu.memory_space<vmem>>
          %dma_wait3A_141 = tpu.memref_slice %arg2[%mul3A_131] : memref<2129920xf32, #tpu.memory_space<hbm>> -> memref<32768xf32, #tpu.memory_space<hbm>>
          tpu.wait_dma2 semaphore(%run_scoped3A : memref<!tpu.dma_semaphore, #tpu.memory_space<semaphore_mem>>) src(%dma_wait3A_141 : memref<32768xf32, #tpu.memory_space<hbm>>) dst(%dma_wait3A_140 : memref<32768xf32, #tpu.memory_space<vmem>>)
          tpu.yield
        }) : () -> ()
      } else {
      }
      %sub3A = arith.subi %while3A_71, %while3A_72 : i32
      %sub3A_82 = arith.subi %reduce_max3A_25, %while3A_73 : i32
      %min3A = arith.minsi %sub3A, %sub3A_82 : i32
      %and3A_83 = arith.constant 15 : i32
      %and3A_84 = arith.andi %while3A_72, %and3A_83 : i32
      %sub3A_85 = arith.subi %while3A_72, %and3A_84 : i32
      %add3A_86 = arith.addi %and3A_84, %min3A : i32
      %add3A_87 = arith.constant 15 : i32
      %add3A_88 = arith.addi %add3A_86, %add3A_87 : i32
      %jit3A = arith.constant 16 : i32
      %div3A = arith.divsi %add3A_88, %jit3A : i32
      %sign3A = arith.constant 0 : i32
      %sign3A_89 = arith.cmpi sgt, %add3A_88, %sign3A : i32
      %sign3A_90 = arith.extui %sign3A_89 : i1 to i32
      %sign3A_91 = arith.constant 0 : i32
      %sign3A_92 = arith.cmpi slt, %add3A_88, %sign3A_91 : i32
      %sign3A_93 = arith.extui %sign3A_92 : i1 to i32
      %sign3A_94 = arith.subi %sign3A_90, %sign3A_93 : i32
      %sign3A_95 = arith.constant 0 : i32
      %sign3A_96 = arith.cmpi sgt, %jit3A, %sign3A_95 : i32
      %sign3A_97 = arith.extui %sign3A_96 : i1 to i32
      %sign3A_98 = arith.constant 0 : i32
      %sign3A_99 = arith.cmpi slt, %jit3A, %sign3A_98 : i32
      %sign3A_100 = arith.extui %sign3A_99 : i1 to i32
      %sign3A_101 = arith.subi %sign3A_97, %sign3A_100 : i32
      %ne3A_102 = arith.cmpi ne, %sign3A_94, %sign3A_101 : i32
      %rem3A = arith.remsi %add3A_88, %jit3A : i32
      %ne3A_103 = arith.constant 0 : i32
      %ne3A_104 = arith.cmpi ne, %rem3A, %ne3A_103 : i32
      %and3A_105 = arith.andi %ne3A_102, %ne3A_104 : i1
      %sub3A_106 = arith.constant 1 : i32
      %sub3A_107 = arith.subi %div3A, %sub3A_106 : i32
      %select_n3A_108 = arith.select %and3A_105, %sub3A_107, %div3A : i32
      %sub3A_109 = arith.subi %while3A_71, %select_n3A : i32
      %mul3A_110 = arith.constant 2048 : i32
      %mul3A_111 = arith.muli %sub3A_109, %mul3A_110 : i32
      %while3A_112 = arith.constant 0 : i32
      %while3A_113 = arith.constant 0 : i32
      %while3A_114 = arith.subi %select_n3A_108, %while3A_113 : i32
      %while3A_115 = arith.addi %while3A_113, %while3A_114 : i32
      %while3A_116 = arith.constant 1 : i32
      %while3A_117 = arith.divsi %while3A_114, %while3A_116 : i32
      %while3A_118 = arith.muli %while3A_117, %while3A_116 : i32
      %while3A_119 = arith.addi %while3A_113, %while3A_118 : i32
      %while3A_120 = arith.constant 1 : i32
      scf.for %while3A_130 = %while3A_113 to %while3A_119 step %while3A_120  : i32 {
        %mul3A_131 = arith.constant 16 : i32
        %mul3A_132 = arith.muli %while3A_130, %mul3A_131 : i32
        %add3A_133 = arith.addi %sub3A_85, %mul3A_132 : i32
        %add3A_134 = vector.broadcast %add3A_133 : i32 to vector<16xi32>
        %add3A_135 = arith.addi %add3A_134, %iota3A : vector<16xi32>
        %ge3A_136 = vector.broadcast %while3A_72 : i32 to vector<16xi32>
        %ge3A_137 = arith.cmpi sge, %add3A_135, %ge3A_136 : vector<16xi32>
        %sub3A_138 = vector.broadcast %while3A_72 : i32 to vector<16xi32>
        %sub3A_139 = arith.subi %add3A_135, %sub3A_138 : vector<16xi32>
        %lt3A = vector.broadcast %min3A : i32 to vector<16xi32>
        %lt3A_140 = arith.cmpi slt, %sub3A_139, %lt3A : vector<16xi32>
        %and3A_141 = arith.andi %ge3A_137, %lt3A_140 : vector<16xi1>
        %add3A_142 = vector.broadcast %while3A_73 : i32 to vector<16xi32>
        %add3A_143 = arith.addi %add3A_142, %add3A_135 : vector<16xi32>
        %sub3A_144 = vector.broadcast %while3A_72 : i32 to vector<16xi32>
        %sub3A_145 = arith.subi %add3A_143, %sub3A_144 : vector<16xi32>
        %max3A = arith.constant 0 : i32
        %max3A_146 = vector.broadcast %max3A : i32 to vector<16xi32>
        %max3A_147 = arith.maxsi %sub3A_145, %max3A_146 : vector<16xi32>
        %shift_right_arithmetic3A_148 = arith.constant 7 : i32
        %shift_right_arithmetic3A_149 = vector.broadcast %shift_right_arithmetic3A_148 : i32 to vector<16xi32>
        %shift_right_arithmetic3A_150 = arith.shrsi %max3A_147, %shift_right_arithmetic3A_149 : vector<16xi32>
        %shift_left3A = arith.constant 8 : i32
        %shift_left3A_151 = vector.broadcast %shift_left3A : i32 to vector<16xi32>
        %shift_left3A_152 = arith.shli %shift_right_arithmetic3A_150, %shift_left3A_151 : vector<16xi32>
        %and3A_153 = arith.constant 127 : i32
        %and3A_154 = vector.broadcast %and3A_153 : i32 to vector<16xi32>
        %and3A_155 = arith.andi %max3A_147, %and3A_154 : vector<16xi32>
        %add3A_156 = arith.addi %shift_left3A_152, %and3A_155 : vector<16xi32>
        %add3A_157 = arith.addi %mul3A_111, %add3A_133 : i32
        %get3A = arith.index_cast %add3A_157 : i32 to index
        %get3A_158 = tpu.vector_load %arg8[%get3A] {strides = array<i32>} : memref<33024xf32, #tpu.memory_space<vmem>>, vector<16xf32>,
        %add3A_159 = arith.constant 1024 : i32
        %add3A_160 = arith.addi %mul3A_111, %add3A_159 : i32
        %add3A_161 = arith.addi %add3A_160, %add3A_133 : i32
        %get3A_162 = arith.index_cast %add3A_161 : i32 to index
        %get3A_163 = tpu.vector_load %arg8[%get3A_162] {strides = array<i32>} : memref<33024xf32, #tpu.memory_space<vmem>>, vector<16xf32>,
        tpu.vector_store_idx %arg13[%add3A_156], %get3A_158 masked %and3A_141 : memref<40960xf32, #tpu.memory_space<vmem>>[vector<16xi32>], vector<16xf32>, vector<16xi1>
        %add3A_164 = arith.constant 128 : i32
        %add3A_165 = vector.broadcast %add3A_164 : i32 to vector<16xi32>
        %add3A_166 = arith.addi %add3A_156, %add3A_165 : vector<16xi32>
        tpu.vector_store_idx %arg13[%add3A_166], %get3A_163 masked %and3A_141 : memref<40960xf32, #tpu.memory_space<vmem>>[vector<16xi32>], vector<16xf32>, vector<16xi1>
      }
      %while3A_121 = arith.constant 1 : i32
      scf.for %while3A_130 = %while3A_119 to %while3A_115 step %while3A_121  : i32 {
        %mul3A_131 = arith.constant 16 : i32
        %mul3A_132 = arith.muli %while3A_130, %mul3A_131 : i32
        %add3A_133 = arith.addi %sub3A_85, %mul3A_132 : i32
        %add3A_134 = vector.broadcast %add3A_133 : i32 to vector<16xi32>
        %add3A_135 = arith.addi %add3A_134, %iota3A : vector<16xi32>
        %ge3A_136 = vector.broadcast %while3A_72 : i32 to vector<16xi32>
        %ge3A_137 = arith.cmpi sge, %add3A_135, %ge3A_136 : vector<16xi32>
        %sub3A_138 = vector.broadcast %while3A_72 : i32 to vector<16xi32>
        %sub3A_139 = arith.subi %add3A_135, %sub3A_138 : vector<16xi32>
        %lt3A = vector.broadcast %min3A : i32 to vector<16xi32>
        %lt3A_140 = arith.cmpi slt, %sub3A_139, %lt3A : vector<16xi32>
        %and3A_141 = arith.andi %ge3A_137, %lt3A_140 : vector<16xi1>
        %add3A_142 = vector.broadcast %while3A_73 : i32 to vector<16xi32>
        %add3A_143 = arith.addi %add3A_142, %add3A_135 : vector<16xi32>
        %sub3A_144 = vector.broadcast %while3A_72 : i32 to vector<16xi32>
        %sub3A_145 = arith.subi %add3A_143, %sub3A_144 : vector<16xi32>
        %max3A = arith.constant 0 : i32
        %max3A_146 = vector.broadcast %max3A : i32 to vector<16xi32>
        %max3A_147 = arith.maxsi %sub3A_145, %max3A_146 : vector<16xi32>
        %shift_right_arithmetic3A_148 = arith.constant 7 : i32
        %shift_right_arithmetic3A_149 = vector.broadcast %shift_right_arithmetic3A_148 : i32 to vector<16xi32>
        %shift_right_arithmetic3A_150 = arith.shrsi %max3A_147, %shift_right_arithmetic3A_149 : vector<16xi32>
        %shift_left3A = arith.constant 8 : i32
        %shift_left3A_151 = vector.broadcast %shift_left3A : i32 to vector<16xi32>
        %shift_left3A_152 = arith.shli %shift_right_arithmetic3A_150, %shift_left3A_151 : vector<16xi32>
        %and3A_153 = arith.constant 127 : i32
        %and3A_154 = vector.broadcast %and3A_153 : i32 to vector<16xi32>
        %and3A_155 = arith.andi %max3A_147, %and3A_154 : vector<16xi32>
        %add3A_156 = arith.addi %shift_left3A_152, %and3A_155 : vector<16xi32>
        %add3A_157 = arith.addi %mul3A_111, %add3A_133 : i32
        %get3A = arith.index_cast %add3A_157 : i32 to index
        %get3A_158 = tpu.vector_load %arg8[%get3A] {strides = array<i32>} : memref<33024xf32, #tpu.memory_space<vmem>>, vector<16xf32>,
        %add3A_159 = arith.constant 1024 : i32
        %add3A_160 = arith.addi %mul3A_111, %add3A_159 : i32
        %add3A_161 = arith.addi %add3A_160, %add3A_133 : i32
        %get3A_162 = arith.index_cast %add3A_161 : i32 to index
        %get3A_163 = tpu.vector_load %arg8[%get3A_162] {strides = array<i32>} : memref<33024xf32, #tpu.memory_space<vmem>>, vector<16xf32>,
        tpu.vector_store_idx %arg13[%add3A_156], %get3A_158 masked %and3A_141 : memref<40960xf32, #tpu.memory_space<vmem>>[vector<16xi32>], vector<16xf32>, vector<16xi1>
        %add3A_164 = arith.constant 128 : i32
        %add3A_165 = vector.broadcast %add3A_164 : i32 to vector<16xi32>
        %add3A_166 = arith.addi %add3A_156, %add3A_165 : vector<16xi32>
        tpu.vector_store_idx %arg13[%add3A_166], %get3A_163 masked %and3A_141 : memref<40960xf32, #tpu.memory_space<vmem>>[vector<16xi32>], vector<16xf32>, vector<16xi1>
      }
      %add3A_122 = arith.addi %while3A_72, %min3A : i32
      %ge3A_123 = arith.cmpi sge, %add3A_122, %while3A_71 : i32
      %add3A_124 = arith.constant 1 : i32
      %add3A_125 = arith.addi %while3A_71, %add3A_124 : i32
      %select_n3A_126 = arith.select %ge3A_123, %add3A_125, %while3A_71 : i32
      %jit3A_127 = arith.constant 0 : i32
      %select_n3A_128 = arith.select %ge3A_123, %jit3A_127, %add3A_122 : i32
      %add3A_129 = arith.addi %while3A_73, %min3A : i32
      scf.yield %select_n3A_126, %select_n3A_128, %add3A_129, %select_n3A : i32, i32, i32, i32
    }
    %mul3A_38 = arith.constant 256 : i32
    %mul3A_39 = arith.muli %reduce_max3A_34, %mul3A_38 : i32
    %shift_right_arithmetic3A = arith.constant 11 : i32
    %shift_right_arithmetic3A_40 = arith.shrsi %reduce_max3A_25, %shift_right_arithmetic3A : i32
    %while3A_41 = arith.constant 0 : i32
    %while3A_42 = arith.constant 0 : i32
    %while3A_43 = arith.subi %shift_right_arithmetic3A_40, %while3A_42 : i32
    %while3A_44 = arith.addi %while3A_42, %while3A_43 : i32
    %while3A_45 = arith.constant 1 : i32
    %while3A_46 = arith.divsi %while3A_43, %while3A_45 : i32
    %while3A_47 = arith.muli %while3A_46, %while3A_45 : i32
    %while3A_48 = arith.addi %while3A_42, %while3A_47 : i32
    %while3A_49 = arith.constant 1 : i32
    scf.for %while3A_71 = %while3A_42 to %while3A_48 step %while3A_49  : i32 {
      %mul3A_72 = arith.constant 4096 : i32
      %mul3A_73 = arith.muli %while3A_71, %mul3A_72 : i32
      %mul3A_74 = arith.constant 4096 : i32
      %mul3A_75 = arith.muli %while3A_71, %mul3A_74 : i32
      %add3A_76 = arith.addi %mul3A_39, %mul3A_75 : i32
      %dma_start3A = tpu.memref_slice %arg13[%mul3A_73] : memref<40960xf32, #tpu.memory_space<vmem>> -> memref<4096xf32, #tpu.memory_space<vmem>>
      %dma_start3A_77 = tpu.memref_slice %arg7[%add3A_76] : memref<1047552xf32, #tpu.memory_space<hbm>> -> memref<4096xf32, #tpu.memory_space<hbm>>
      %dma_start3A_78 = tpu.memref_slice %arg7[%add3A_76] : memref<1047552xf32, #tpu.memory_space<hbm>> -> memref<4096xf32, #tpu.memory_space<hbm>>
      %dma_start3A_79 = tpu.memref_slice %arg13[%mul3A_73] : memref<40960xf32, #tpu.memory_space<vmem>> -> memref<4096xf32, #tpu.memory_space<vmem>>
      tpu.enqueue_dma source(%dma_start3A_79 : memref<4096xf32, #tpu.memory_space<vmem>>) target(%dma_start3A_78 : memref<4096xf32, #tpu.memory_space<hbm>>) target_semaphore(%arg14 : memref<!tpu.dma_semaphore, #tpu.memory_space<semaphore_mem>>)
    }
    %while3A_50 = arith.constant 1 : i32
    scf.for %while3A_71 = %while3A_48 to %while3A_44 step %while3A_50  : i32 {
      %mul3A_72 = arith.constant 4096 : i32
      %mul3A_73 = arith.muli %while3A_71, %mul3A_72 : i32
      %mul3A_74 = arith.constant 4096 : i32
      %mul3A_75 = arith.muli %while3A_71, %mul3A_74 : i32
      %add3A_76 = arith.addi %mul3A_39, %mul3A_75 : i32
      %dma_start3A = tpu.memref_slice %arg13[%mul3A_73] : memref<40960xf32, #tpu.memory_space<vmem>> -> memref<4096xf32, #tpu.memory_space<vmem>>
      %dma_start3A_77 = tpu.memref_slice %arg7[%add3A_76] : memref<1047552xf32, #tpu.memory_space<hbm>> -> memref<4096xf32, #tpu.memory_space<hbm>>
      %dma_start3A_78 = tpu.memref_slice %arg7[%add3A_76] : memref<1047552xf32, #tpu.memory_space<hbm>> -> memref<4096xf32, #tpu.memory_space<hbm>>
      %dma_start3A_79 = tpu.memref_slice %arg13[%mul3A_73] : memref<40960xf32, #tpu.memory_space<vmem>> -> memref<4096xf32, #tpu.memory_space<vmem>>
      tpu.enqueue_dma source(%dma_start3A_79 : memref<4096xf32, #tpu.memory_space<vmem>>) target(%dma_start3A_78 : memref<4096xf32, #tpu.memory_space<hbm>>) target_semaphore(%arg14 : memref<!tpu.dma_semaphore, #tpu.memory_space<semaphore_mem>>)
    }
    %and3A = arith.constant 2047 : i32
    %and3A_51 = arith.andi %reduce_max3A_25, %and3A : i32
    %ne3A = arith.constant 0 : i32
    %ne3A_52 = arith.cmpi ne, %and3A_51, %ne3A : i32
    %convert_element_type3A = arith.extui %ne3A_52 : i1 to i32
    %cond3A = arith.constant 0 : i32
    %cond3A_53 = arith.cmpi ne, %convert_element_type3A, %cond3A : i32
    scf.if %cond3A_53 {
      %mul3A_71 = arith.constant 4096 : i32
      %mul3A_72 = arith.muli %shift_right_arithmetic3A_40, %mul3A_71 : i32
      %mul3A_73 = arith.constant 4096 : i32
      %mul3A_74 = arith.muli %shift_right_arithmetic3A_40, %mul3A_73 : i32
      %add3A_75 = arith.addi %mul3A_39, %mul3A_74 : i32
      %dma_start3A = tpu.memref_slice %arg13[%mul3A_72] : memref<40960xf32, #tpu.memory_space<vmem>> -> memref<3072xf32, #tpu.memory_space<vmem>>
      %dma_start3A_76 = tpu.memref_slice %arg7[%add3A_75] : memref<1047552xf32, #tpu.memory_space<hbm>> -> memref<3072xf32, #tpu.memory_space<hbm>>
      %dma_start3A_77 = tpu.memref_slice %arg7[%add3A_75] : memref<1047552xf32, #tpu.memory_space<hbm>> -> memref<3072xf32, #tpu.memory_space<hbm>>
      %dma_start3A_78 = tpu.memref_slice %arg13[%mul3A_72] : memref<40960xf32, #tpu.memory_space<vmem>> -> memref<3072xf32, #tpu.memory_space<vmem>>
      tpu.enqueue_dma source(%dma_start3A_78 : memref<3072xf32, #tpu.memory_space<vmem>>) target(%dma_start3A_77 : memref<3072xf32, #tpu.memory_space<hbm>>) target_semaphore(%arg14 : memref<!tpu.dma_semaphore, #tpu.memory_space<semaphore_mem>>)
    } else {
    }
    %while3A_54 = arith.constant 0 : i32
    %while3A_55 = arith.constant 0 : i32
    %while3A_56 = arith.subi %shift_right_arithmetic3A_40, %while3A_55 : i32
    %while3A_57 = arith.addi %while3A_55, %while3A_56 : i32
    %while3A_58 = arith.constant 1 : i32
    %while3A_59 = arith.divsi %while3A_56, %while3A_58 : i32
    %while3A_60 = arith.muli %while3A_59, %while3A_58 : i32
    %while3A_61 = arith.addi %while3A_55, %while3A_60 : i32
    %while3A_62 = arith.constant 1 : i32
    scf.for %while3A_71 = %while3A_55 to %while3A_61 step %while3A_62  : i32 {
      %mul3A_72 = arith.constant 4096 : i32
      %mul3A_73 = arith.muli %while3A_71, %mul3A_72 : i32
      %mul3A_74 = arith.constant 4096 : i32
      %mul3A_75 = arith.muli %while3A_71, %mul3A_74 : i32
      %add3A_76 = arith.addi %mul3A_39, %mul3A_75 : i32
      %dma_wait3A = tpu.memref_slice %arg13[%mul3A_73] : memref<40960xf32, #tpu.memory_space<vmem>> -> memref<4096xf32, #tpu.memory_space<vmem>>
      %dma_wait3A_77 = tpu.memref_slice %arg7[%add3A_76] : memref<1047552xf32, #tpu.memory_space<hbm>> -> memref<4096xf32, #tpu.memory_space<hbm>>
      %dma_wait3A_78 = tpu.memref_slice %arg7[%add3A_76] : memref<1047552xf32, #tpu.memory_space<hbm>> -> memref<4096xf32, #tpu.memory_space<hbm>>
      %dma_wait3A_79 = tpu.memref_slice %arg13[%mul3A_73] : memref<40960xf32, #tpu.memory_space<vmem>> -> memref<4096xf32, #tpu.memory_space<vmem>>
      tpu.wait_dma2 semaphore(%arg14 : memref<!tpu.dma_semaphore, #tpu.memory_space<semaphore_mem>>) src(%dma_wait3A_79 : memref<4096xf32, #tpu.memory_space<vmem>>) dst(%dma_wait3A_78 : memref<4096xf32, #tpu.memory_space<hbm>>)
    }
    %while3A_63 = arith.constant 1 : i32
    scf.for %while3A_71 = %while3A_61 to %while3A_57 step %while3A_63  : i32 {
      %mul3A_72 = arith.constant 4096 : i32
      %mul3A_73 = arith.muli %while3A_71, %mul3A_72 : i32
      %mul3A_74 = arith.constant 4096 : i32
      %mul3A_75 = arith.muli %while3A_71, %mul3A_74 : i32
      %add3A_76 = arith.addi %mul3A_39, %mul3A_75 : i32
      %dma_wait3A = tpu.memref_slice %arg13[%mul3A_73] : memref<40960xf32, #tpu.memory_space<vmem>> -> memref<4096xf32, #tpu.memory_space<vmem>>
      %dma_wait3A_77 = tpu.memref_slice %arg7[%add3A_76] : memref<1047552xf32, #tpu.memory_space<hbm>> -> memref<4096xf32, #tpu.memory_space<hbm>>
      %dma_wait3A_78 = tpu.memref_slice %arg7[%add3A_76] : memref<1047552xf32, #tpu.memory_space<hbm>> -> memref<4096xf32, #tpu.memory_space<hbm>>
      %dma_wait3A_79 = tpu.memref_slice %arg13[%mul3A_73] : memref<40960xf32, #tpu.memory_space<vmem>> -> memref<4096xf32, #tpu.memory_space<vmem>>
      tpu.wait_dma2 semaphore(%arg14 : memref<!tpu.dma_semaphore, #tpu.memory_space<semaphore_mem>>) src(%dma_wait3A_79 : memref<4096xf32, #tpu.memory_space<vmem>>) dst(%dma_wait3A_78 : memref<4096xf32, #tpu.memory_space<hbm>>)
    }
    %and3A_64 = arith.constant 2047 : i32
    %and3A_65 = arith.andi %reduce_max3A_25, %and3A_64 : i32
    %ne3A_66 = arith.constant 0 : i32
    %ne3A_67 = arith.cmpi ne, %and3A_65, %ne3A_66 : i32
    %convert_element_type3A_68 = arith.extui %ne3A_67 : i1 to i32
    %cond3A_69 = arith.constant 0 : i32
    %cond3A_70 = arith.cmpi ne, %convert_element_type3A_68, %cond3A_69 : i32
    scf.if %cond3A_70 {
      %mul3A_71 = arith.constant 4096 : i32
      %mul3A_72 = arith.muli %shift_right_arithmetic3A_40, %mul3A_71 : i32
      %mul3A_73 = arith.constant 4096 : i32
      %mul3A_74 = arith.muli %shift_right_arithmetic3A_40, %mul3A_73 : i32
      %add3A_75 = arith.addi %mul3A_39, %mul3A_74 : i32
      %dma_wait3A = tpu.memref_slice %arg13[%mul3A_72] : memref<40960xf32, #tpu.memory_space<vmem>> -> memref<3072xf32, #tpu.memory_space<vmem>>
      %dma_wait3A_76 = tpu.memref_slice %arg7[%add3A_75] : memref<1047552xf32, #tpu.memory_space<hbm>> -> memref<3072xf32, #tpu.memory_space<hbm>>
      %dma_wait3A_77 = tpu.memref_slice %arg7[%add3A_75] : memref<1047552xf32, #tpu.memory_space<hbm>> -> memref<3072xf32, #tpu.memory_space<hbm>>
      %dma_wait3A_78 = tpu.memref_slice %arg13[%mul3A_72] : memref<40960xf32, #tpu.memory_space<vmem>> -> memref<3072xf32, #tpu.memory_space<vmem>>
      tpu.wait_dma2 semaphore(%arg14 : memref<!tpu.dma_semaphore, #tpu.memory_space<semaphore_mem>>) src(%dma_wait3A_78 : memref<3072xf32, #tpu.memory_space<vmem>>) dst(%dma_wait3A_77 : memref<3072xf32, #tpu.memory_space<hbm>>)
    } else {
    }
    return
  }
}

module attributes {stable_mosaic.version = 14 : i64} {
  func.func @_stage1_body(%arg0: memref<1024x32xf32, #tpu.memory_space<vmem>>, %arg1: memref<1024x3xf32, #tpu.memory_space<vmem>>, %arg2: memref<35x64xf32, #tpu.memory_space<vmem>>, %arg3: memref<35x64xf32, #tpu.memory_space<vmem>>, %arg4: memref<64xf32, #tpu.memory_space<vmem>>, %arg5: memref<64x32xf32, #tpu.memory_space<vmem>>, %arg6: memref<64x32xf32, #tpu.memory_space<vmem>>, %arg7: memref<32xf32, #tpu.memory_space<vmem>>, %arg8: memref<64x32xf32, #tpu.memory_space<vmem>>, %arg9: memref<32xf32, #tpu.memory_space<vmem>>, %arg10: memref<32x2xf32, #tpu.memory_space<vmem>>, %arg11: memref<2xf32, #tpu.memory_space<vmem>>, %arg12: memref<2129920xf32, #tpu.memory_space<vmem>>, %arg13: memref<1024x32xf32, #tpu.memory_space<vmem>>) attributes {dimension_semantics = [], scalar_prefetch = 0 : i64, scratch_operands = 1 : i64, tpu.core_type = #tpu.core_type<tc>} {
    %get3A = arith.constant 0 : index
    %get3A_0 = arith.constant 0 : index
    %get3A_1 = vector.load %arg0[%get3A, %get3A_0] : memref<1024x32xf32, #tpu.memory_space<vmem>>, vector<1024x32xf32>
    %get3A_2 = arith.constant 0 : index
    %get3A_3 = arith.constant 0 : index
    %get3A_4 = vector.load %arg1[%get3A_2, %get3A_3] : memref<1024x3xf32, #tpu.memory_space<vmem>>, vector<1024x3xf32>
    %mul3A = arith.mulf %get3A_1, %get3A_1 : vector<1024x32xf32>
    %reduce_sum3A = arith.constant dense<0.000000e+00> : vector<1024xf32>
    %reduce_sum3A_5 = vector.multi_reduction <add>, %mul3A, %reduce_sum3A [1] : vector<1024x32xf32> to vector<1024xf32>
    %broadcast_in_dim3A = vector.shape_cast %reduce_sum3A_5 : vector<1024xf32> to vector<1024x1xf32>
    %sqrt3A = math.sqrt %broadcast_in_dim3A : vector<1024x1xf32>
    %max3A = arith.constant 9.99999996E-13 : f32
    %max3A_6 = vector.broadcast %max3A : f32 to vector<1024x1xf32>
    %max3A_7 = arith.maximumf %sqrt3A, %max3A_6 : vector<1024x1xf32>
    %div3A = vector.broadcast %max3A_7 : vector<1024x1xf32> to vector<1024x32xf32>
    %div3A_8 = arith.divf %get3A_1, %div3A : vector<1024x32xf32>
    %concatenate3A = tpu.concatenate %get3A_1, %get3A_4 in 1 : vector<1024x32xf32>, vector<1024x3xf32> -> vector<1024x35xf32>
    %iota3A = tpu.iota {dimensions = array<i32: 0>} : vector<1024x1024xi32>
    %iota3A_9 = tpu.iota {dimensions = array<i32: 1>} : vector<1024x1024xi32>
    %gt3A = arith.cmpi sgt, %iota3A_9, %iota3A : vector<1024x1024xi32>
    %convert_element_type3A = arith.extui %gt3A : vector<1024x1024xi1> to vector<1024x1024xi32>
    %convert_element_type3A_10 = arith.sitofp %convert_element_type3A : vector<1024x1024xi32> to vector<1024x1024xf32>
    %mul3A_11 = arith.mulf %get3A_1, %div3A_8 : vector<1024x32xf32>
    %dot_general3A = arith.constant dense<0.000000e+00> : vector<1024x32xf32>
    %dot_general3A_12 = tpu.matmul %convert_element_type3A_10, %mul3A_11, %dot_general3A {dimension_numbers = #tpu.dot_dimension_numbers<[1], [0], [0], [1], [0, 0, 1, 1], [], []>, transpose_lhs_hint = false} : vector<1024x1024xf32>, vector<1024x32xf32>, vector<1024x32xf32> -> vector<1024x32xf32>
    %mul3A_13 = arith.mulf %div3A_8, %dot_general3A_12 : vector<1024x32xf32>
    %transpose3A = tpu.transpose %get3A_4, [1, 0] : vector<1024x3xf32> -> vector<3x1024xf32>
    %slice3A = vector.extract_strided_slice %get3A_4 {offsets = [0, 0], sizes = [1024, 1], strides = [1, 1]} : vector<1024x3xf32> to vector<1024x1xf32>
    %slice3A_14 = vector.extract_strided_slice %transpose3A {offsets = [0, 0], sizes = [1, 1024], strides = [1, 1]} : vector<3x1024xf32> to vector<1x1024xf32>
    %sub3A = vector.broadcast %slice3A : vector<1024x1xf32> to vector<1024x1024xf32>
    %sub3A_15 = vector.broadcast %slice3A_14 : vector<1x1024xf32> to vector<1024x1024xf32>
    %sub3A_16 = arith.subf %sub3A, %sub3A_15 : vector<1024x1024xf32>
    %abs3A = math.absf %sub3A_16 : vector<1024x1024xf32>
    %mul3A_17 = vector.broadcast %slice3A_14 : vector<1x1024xf32> to vector<1024x1024xf32>
    %mul3A_18 = arith.mulf %abs3A, %mul3A_17 : vector<1024x1024xf32>
    %mul3A_19 = arith.mulf %mul3A_18, %convert_element_type3A_10 : vector<1024x1024xf32>
    %reduce_sum3A_20 = arith.constant dense<0.000000e+00> : vector<1024xf32>
    %reduce_sum3A_21 = vector.multi_reduction <add>, %mul3A_19, %reduce_sum3A_20 [1] : vector<1024x1024xf32> to vector<1024xf32>
    %broadcast_in_dim3A_22 = vector.shape_cast %reduce_sum3A_21 : vector<1024xf32> to vector<1024x1xf32>
    %slice3A_23 = vector.extract_strided_slice %get3A_4 {offsets = [0, 1], sizes = [1024, 1], strides = [1, 1]} : vector<1024x3xf32> to vector<1024x1xf32>
    %slice3A_24 = vector.extract_strided_slice %transpose3A {offsets = [1, 0], sizes = [1, 1024], strides = [1, 1]} : vector<3x1024xf32> to vector<1x1024xf32>
    %sub3A_25 = vector.broadcast %slice3A_23 : vector<1024x1xf32> to vector<1024x1024xf32>
    %sub3A_26 = vector.broadcast %slice3A_24 : vector<1x1024xf32> to vector<1024x1024xf32>
    %sub3A_27 = arith.subf %sub3A_25, %sub3A_26 : vector<1024x1024xf32>
    %abs3A_28 = math.absf %sub3A_27 : vector<1024x1024xf32>
    %mul3A_29 = vector.broadcast %slice3A_24 : vector<1x1024xf32> to vector<1024x1024xf32>
    %mul3A_30 = arith.mulf %abs3A_28, %mul3A_29 : vector<1024x1024xf32>
    %mul3A_31 = arith.mulf %mul3A_30, %convert_element_type3A_10 : vector<1024x1024xf32>
    %reduce_sum3A_32 = arith.constant dense<0.000000e+00> : vector<1024xf32>
    %reduce_sum3A_33 = vector.multi_reduction <add>, %mul3A_31, %reduce_sum3A_32 [1] : vector<1024x1024xf32> to vector<1024xf32>
    %broadcast_in_dim3A_34 = vector.shape_cast %reduce_sum3A_33 : vector<1024xf32> to vector<1024x1xf32>
    %slice3A_35 = vector.extract_strided_slice %get3A_4 {offsets = [0, 2], sizes = [1024, 1], strides = [1, 1]} : vector<1024x3xf32> to vector<1024x1xf32>
    %slice3A_36 = vector.extract_strided_slice %transpose3A {offsets = [2, 0], sizes = [1, 1024], strides = [1, 1]} : vector<3x1024xf32> to vector<1x1024xf32>
    %sub3A_37 = vector.broadcast %slice3A_35 : vector<1024x1xf32> to vector<1024x1024xf32>
    %sub3A_38 = vector.broadcast %slice3A_36 : vector<1x1024xf32> to vector<1024x1024xf32>
    %sub3A_39 = arith.subf %sub3A_37, %sub3A_38 : vector<1024x1024xf32>
    %abs3A_40 = math.absf %sub3A_39 : vector<1024x1024xf32>
    %mul3A_41 = vector.broadcast %slice3A_36 : vector<1x1024xf32> to vector<1024x1024xf32>
    %mul3A_42 = arith.mulf %abs3A_40, %mul3A_41 : vector<1024x1024xf32>
    %mul3A_43 = arith.mulf %mul3A_42, %convert_element_type3A_10 : vector<1024x1024xf32>
    %reduce_sum3A_44 = arith.constant dense<0.000000e+00> : vector<1024xf32>
    %reduce_sum3A_45 = vector.multi_reduction <add>, %mul3A_43, %reduce_sum3A_44 [1] : vector<1024x1024xf32> to vector<1024xf32>
    %broadcast_in_dim3A_46 = vector.shape_cast %reduce_sum3A_45 : vector<1024xf32> to vector<1024x1xf32>
    %concatenate3A_47 = tpu.concatenate %broadcast_in_dim3A_22, %broadcast_in_dim3A_34, %broadcast_in_dim3A_46 in 1 : vector<1024x1xf32>, vector<1024x1xf32>, vector<1024x1xf32> -> vector<1024x3xf32>
    %concatenate3A_48 = tpu.concatenate %mul3A_13, %concatenate3A_47 in 1 : vector<1024x32xf32>, vector<1024x3xf32> -> vector<1024x35xf32>
    %iota3A_49 = tpu.iota {dimensions = array<i32: 0>} : vector<1024x1xi32>
    %convert_element_type3A_50 = arith.sitofp %iota3A_49 : vector<1024x1xi32> to vector<1024x1xf32>
    %sub3A_51 = arith.constant 1.023000e+03 : f32
    %sub3A_52 = vector.broadcast %sub3A_51 : f32 to vector<1024x1xf32>
    %sub3A_53 = arith.subf %sub3A_52, %convert_element_type3A_50 : vector<1024x1xf32>
    %max3A_54 = arith.constant 1.000000e+00 : f32
    %max3A_55 = vector.broadcast %max3A_54 : f32 to vector<1024x1xf32>
    %max3A_56 = arith.maximumf %sub3A_53, %max3A_55 : vector<1024x1xf32>
    %div3A_57 = arith.constant 1.000000e+00 : f32
    %div3A_58 = vector.broadcast %div3A_57 : f32 to vector<1024x1xf32>
    %div3A_59 = arith.divf %div3A_58, %max3A_56 : vector<1024x1xf32>
    %mul3A_60 = vector.broadcast %div3A_59 : vector<1024x1xf32> to vector<1024x35xf32>
    %mul3A_61 = arith.mulf %concatenate3A_48, %mul3A_60 : vector<1024x35xf32>
    %get3A_62 = arith.constant 0 : index
    %get3A_63 = arith.constant 0 : index
    %get3A_64 = vector.load %arg2[%get3A_62, %get3A_63] : memref<35x64xf32, #tpu.memory_space<vmem>>, vector<35x64xf32>
    %dot_general3A_65 = arith.constant dense<0.000000e+00> : vector<1024x64xf32>
    %dot_general3A_66 = tpu.matmul %concatenate3A, %get3A_64, %dot_general3A_65 {dimension_numbers = #tpu.dot_dimension_numbers<[1], [0], [0], [1], [0, 0, 1, 1], [], []>, transpose_lhs_hint = false} : vector<1024x35xf32>, vector<35x64xf32>, vector<1024x64xf32> -> vector<1024x64xf32>
    %get3A_67 = arith.constant 0 : index
    %get3A_68 = arith.constant 0 : index
    %get3A_69 = vector.load %arg3[%get3A_67, %get3A_68] : memref<35x64xf32, #tpu.memory_space<vmem>>, vector<35x64xf32>
    %dot_general3A_70 = arith.constant dense<0.000000e+00> : vector<1024x64xf32>
    %dot_general3A_71 = tpu.matmul %mul3A_61, %get3A_69, %dot_general3A_70 {dimension_numbers = #tpu.dot_dimension_numbers<[1], [0], [0], [1], [0, 0, 1, 1], [], []>, transpose_lhs_hint = false} : vector<1024x35xf32>, vector<35x64xf32>, vector<1024x64xf32> -> vector<1024x64xf32>
    %add3A = arith.addf %dot_general3A_66, %dot_general3A_71 : vector<1024x64xf32>
    %get3A_72 = arith.constant 0 : index
    %get3A_73 = vector.load %arg4[%get3A_72] : memref<64xf32, #tpu.memory_space<vmem>>, vector<64xf32>
    %broadcast_in_dim3A_74 = vector.shape_cast %get3A_73 : vector<64xf32> to vector<1x64xf32>
    %add3A_75 = vector.broadcast %broadcast_in_dim3A_74 : vector<1x64xf32> to vector<1024x64xf32>
    %add3A_76 = arith.addf %add3A, %add3A_75 : vector<1024x64xf32>
    %dot_general3A_77 = arith.constant dense<0.000000e+00> : vector<1024x64xf32>
    %dot_general3A_78 = tpu.matmul %convert_element_type3A_10, %add3A_76, %dot_general3A_77 {dimension_numbers = #tpu.dot_dimension_numbers<[1], [0], [0], [1], [0, 0, 1, 1], [], []>, transpose_lhs_hint = false} : vector<1024x1024xf32>, vector<1024x64xf32>, vector<1024x64xf32> -> vector<1024x64xf32>
    %mul3A_79 = vector.broadcast %div3A_59 : vector<1024x1xf32> to vector<1024x64xf32>
    %mul3A_80 = arith.mulf %dot_general3A_78, %mul3A_79 : vector<1024x64xf32>
    %get3A_81 = arith.constant 0 : index
    %get3A_82 = arith.constant 0 : index
    %get3A_83 = vector.load %arg5[%get3A_81, %get3A_82] : memref<64x32xf32, #tpu.memory_space<vmem>>, vector<64x32xf32>
    %dot_general3A_84 = arith.constant dense<0.000000e+00> : vector<1024x32xf32>
    %dot_general3A_85 = tpu.matmul %add3A_76, %get3A_83, %dot_general3A_84 {dimension_numbers = #tpu.dot_dimension_numbers<[1], [0], [0], [1], [0, 0, 1, 1], [], []>, transpose_lhs_hint = false} : vector<1024x64xf32>, vector<64x32xf32>, vector<1024x32xf32> -> vector<1024x32xf32>
    %get3A_86 = arith.constant 0 : index
    %get3A_87 = arith.constant 0 : index
    %get3A_88 = vector.load %arg6[%get3A_86, %get3A_87] : memref<64x32xf32, #tpu.memory_space<vmem>>, vector<64x32xf32>
    %dot_general3A_89 = arith.constant dense<0.000000e+00> : vector<1024x32xf32>
    %dot_general3A_90 = tpu.matmul %mul3A_80, %get3A_88, %dot_general3A_89 {dimension_numbers = #tpu.dot_dimension_numbers<[1], [0], [0], [1], [0, 0, 1, 1], [], []>, transpose_lhs_hint = false} : vector<1024x64xf32>, vector<64x32xf32>, vector<1024x32xf32> -> vector<1024x32xf32>
    %add3A_91 = arith.addf %dot_general3A_85, %dot_general3A_90 : vector<1024x32xf32>
    %get3A_92 = arith.constant 0 : index
    %get3A_93 = vector.load %arg7[%get3A_92] : memref<32xf32, #tpu.memory_space<vmem>>, vector<32xf32>
    %broadcast_in_dim3A_94 = vector.shape_cast %get3A_93 : vector<32xf32> to vector<1x32xf32>
    %add3A_95 = vector.broadcast %broadcast_in_dim3A_94 : vector<1x32xf32> to vector<1024x32xf32>
    %add3A_96 = arith.addf %add3A_91, %add3A_95 : vector<1024x32xf32>
    %get3A_97 = arith.constant 0 : index
    %get3A_98 = arith.constant 0 : index
    %get3A_99 = vector.load %arg8[%get3A_97, %get3A_98] : memref<64x32xf32, #tpu.memory_space<vmem>>, vector<64x32xf32>
    %slice3A_100 = vector.extract_strided_slice %get3A_99 {offsets = [0, 0], sizes = [32, 32], strides = [1, 1]} : vector<64x32xf32> to vector<32x32xf32>
    %dot_general3A_101 = arith.constant dense<0.000000e+00> : vector<1024x32xf32>
    %dot_general3A_102 = tpu.matmul %add3A_96, %slice3A_100, %dot_general3A_101 {dimension_numbers = #tpu.dot_dimension_numbers<[1], [0], [0], [1], [0, 0, 1, 1], [], []>, transpose_lhs_hint = false} : vector<1024x32xf32>, vector<32x32xf32>, vector<1024x32xf32> -> vector<1024x32xf32>
    %get3A_103 = arith.constant 0 : index
    %get3A_104 = vector.load %arg9[%get3A_103] : memref<32xf32, #tpu.memory_space<vmem>>, vector<32xf32>
    %broadcast_in_dim3A_105 = vector.shape_cast %get3A_104 : vector<32xf32> to vector<1x32xf32>
    %add3A_106 = vector.broadcast %broadcast_in_dim3A_105 : vector<1x32xf32> to vector<1024x32xf32>
    %add3A_107 = arith.addf %dot_general3A_102, %add3A_106 : vector<1024x32xf32>
    %slice3A_108 = vector.extract_strided_slice %get3A_99 {offsets = [32, 0], sizes = [32, 32], strides = [1, 1]} : vector<64x32xf32> to vector<32x32xf32>
    %dot_general3A_109 = arith.constant dense<0.000000e+00> : vector<1024x32xf32>
    %dot_general3A_110 = tpu.matmul %add3A_96, %slice3A_108, %dot_general3A_109 {dimension_numbers = #tpu.dot_dimension_numbers<[1], [0], [0], [1], [0, 0, 1, 1], [], []>, transpose_lhs_hint = false} : vector<1024x32xf32>, vector<32x32xf32>, vector<1024x32xf32> -> vector<1024x32xf32>
    %transpose3A_111 = tpu.transpose %add3A_107, [1, 0] : vector<1024x32xf32> -> vector<32x1024xf32>
    %swap3A = arith.constant 0 : index
    %swap3A_112 = arith.constant 0 : index
    %swap3A_113 = vector.load %arg13[%swap3A, %swap3A_112] : memref<1024x32xf32, #tpu.memory_space<vmem>>, vector<1024x32xf32>
    tpu.vector_store %arg13[%swap3A, %swap3A_112], %dot_general3A_110 {strides = array<i32>} : memref<1024x32xf32, #tpu.memory_space<vmem>>, vector<1024x32xf32>,
    %get3A_114 = arith.constant 0 : index
    %get3A_115 = arith.constant 0 : index
    %get3A_116 = vector.load %arg10[%get3A_114, %get3A_115] : memref<32x2xf32, #tpu.memory_space<vmem>>, vector<32x2xf32>
    %transpose3A_117 = tpu.transpose %get3A_116, [1, 0] : vector<32x2xf32> -> vector<2x32xf32>
    %get3A_118 = arith.constant 0 : index
    %get3A_119 = vector.load %arg11[%get3A_118] : memref<2xf32, #tpu.memory_space<vmem>>, vector<2xf32>
    %broadcast_in_dim3A_120 = vector.shape_cast %get3A_119 : vector<2xf32> to vector<2x1xf32>
    %scan3A = arith.constant 0 : i32
    %scan3A_121 = arith.constant 1024 : i32
    %scan3A_122 = arith.addi %scan3A, %scan3A_121 : i32
    %scan3A_123 = arith.constant 1 : i32
    scf.for %scan3A_125 = %scan3A to %scan3A_122 step %scan3A_123  : i32 {
      %get3A_126 = arith.index_cast %scan3A_125 : i32 to index
      %get3A_127 = arith.constant 0 : index
      %get3A_128 = vector.load %arg13[%get3A_126, %get3A_127] : memref<1024x32xf32, #tpu.memory_space<vmem>>, vector<1x32xf32>
      %transpose3A_129 = tpu.transpose %get3A_128, [1, 0] : vector<1x32xf32> -> vector<32x1xf32>
      %add3A_130 = vector.broadcast %transpose3A_129 : vector<32x1xf32> to vector<32x1024xf32>
      %add3A_131 = arith.addf %transpose3A_111, %add3A_130 : vector<32x1024xf32>
      %max3A_132 = arith.constant 0.000000e+00 : f32
      %max3A_133 = vector.broadcast %max3A_132 : f32 to vector<32x1024xf32>
      %max3A_134 = arith.maximumf %add3A_131, %max3A_133 : vector<32x1024xf32>
      %dot_general3A_135 = arith.constant dense<0.000000e+00> : vector<2x1024xf32>
      %dot_general3A_136 = tpu.matmul %transpose3A_117, %max3A_134, %dot_general3A_135 {dimension_numbers = #tpu.dot_dimension_numbers<[1], [0], [0], [1], [0, 0, 1, 1], [], []>, transpose_lhs_hint = false} : vector<2x32xf32>, vector<32x1024xf32>, vector<2x1024xf32> -> vector<2x1024xf32>
      %add3A_137 = vector.broadcast %broadcast_in_dim3A_120 : vector<2x1xf32> to vector<2x1024xf32>
      %add3A_138 = arith.addf %dot_general3A_136, %add3A_137 : vector<2x1024xf32>
      %max3A_139 = arith.constant 0.000000e+00 : f32
      %max3A_140 = vector.broadcast %max3A_139 : f32 to vector<2x1024xf32>
      %max3A_141 = arith.maximumf %add3A_138, %max3A_140 : vector<2x1024xf32>
      %slice3A_142 = vector.extract_strided_slice %max3A_141 {offsets = [0, 0], sizes = [1, 1024], strides = [1, 1]} : vector<2x1024xf32> to vector<1x1024xf32>
      %squeeze3A = vector.shape_cast %slice3A_142 : vector<1x1024xf32> to vector<1024xf32>
      %mul3A_143 = arith.constant 2048 : i32
      %mul3A_144 = arith.muli %scan3A_125, %mul3A_143 : i32
      %swap3A_145 = arith.index_cast %mul3A_144 : i32 to index
      %swap3A_146 = vector.load %arg12[%swap3A_145] : memref<2129920xf32, #tpu.memory_space<vmem>>, vector<1024xf32>
      tpu.vector_store %arg12[%swap3A_145], %squeeze3A {strides = array<i32>} : memref<2129920xf32, #tpu.memory_space<vmem>>, vector<1024xf32>,
      %slice3A_147 = vector.extract_strided_slice %max3A_141 {offsets = [1, 0], sizes = [1, 1024], strides = [1, 1]} : vector<2x1024xf32> to vector<1x1024xf32>
      %squeeze3A_148 = vector.shape_cast %slice3A_147 : vector<1x1024xf32> to vector<1024xf32>
      %mul3A_149 = arith.constant 2048 : i32
      %mul3A_150 = arith.muli %scan3A_125, %mul3A_149 : i32
      %add3A_151 = arith.constant 1024 : i32
      %add3A_152 = arith.addi %mul3A_150, %add3A_151 : i32
      %swap3A_153 = arith.index_cast %add3A_152 : i32 to index
      %swap3A_154 = vector.load %arg12[%swap3A_153] : memref<2129920xf32, #tpu.memory_space<vmem>>, vector<1024xf32>
      tpu.vector_store %arg12[%swap3A_153], %squeeze3A_148 {strides = array<i32>} : memref<2129920xf32, #tpu.memory_space<vmem>>, vector<1024xf32>,
    }
    %scan3A_124 = arith.constant 1024 : i32
    return
  }
}

</mosaic_0001>

<sc_bundles>
// kernel: kernel.4.cloned.1.call-start
scs
__scs_entry_jumppad:
0x0: {  	(pc) =	sbr.rel $0x88, $3  }
0x1: {  	(tag) =	ssettag $0x0;
	lr =	simm.s32 $0x1  }
0x2: {  	[smem:$0x3F95] =	sst lr;
	_ =	strace $0xD0000000  }
0x3: {  	_ = 	snop  }
0x4: {  	_ = 	snop  }
0x5: {  	_ = 	snop  }
0x6: {  	_ = 	snop  }
0x7: {  	_ = 	snop  }
__scs_overlays_trampoline_lowered:
0x8: {  	[smem:$0x3FA4] =	sst s0  }
0x9: {  	[smem:$0x3FA5] =	sst s1  }
0xa: {  	[smem:$0x3FA6] =	sst s2  }
0xb: {  	[smem:$0x3FA7] =	sst s3  }
0xc: {  	[smem:$0x3FA8] =	sst s4  }
0xd: {  	[smem:$0x3FA9] =	sst s5  }
0xe: {  	[smem:$0x3FAA] =	sst s6  }
0xf: {  	[smem:$0x3FAB] =	sst s7  }
0x10: {  	[smem:$0x3FAC] =	sst s8  }
0x11: {  	[smem:$0x3FAD] =	sst s9;
	s0 =	simm.s32 @!p0 $0x0  }
0x12: {  	s1 =	sld [smem:$0x3F93];
	s0 =	simm.s32 @p0 $0x1  }
0x13: {  	[smem:$0x3FAE] =	sst s0;
	s0 =	simm.s32 @!p1 $0x0  }
0x14: {  	s2 =	sld [smem:$0x3F92];
	s0 =	simm.s32 @p1 $0x1  }
0x15: {  	[smem:$0x3FAF] =	sst s0;
	s0 =	simm.s32 @!p2 $0x0  }
0x16: {  	s3 =	sld [smem:$0x3FDB];
	s0 =	simm.s32 @p2 $0x1  }
0x17: {  	s4 =	simm.s32 $0x1BF5;
	[smem:$0x3FB1] =	sst s0  }
0x18: {  	s0 =	sld [smem:$0x3F94];
	_ =	swait.ge [sflag:s4], $0x0  }
0x19: {  	s7 =	sld [smem:$0x3F95]  }
0x1a: {  	s8 =	sadd.s32 $0xFFFFE003, lr  }
0x1b: {  	s9 =	sadd.s32 $0xFFFFFEF7, lr;
	s5 =	simm.s32 $0xFFFFFFFF;
	p2 =	slt.u32 s8, $0xFFFFF086  }
0x1c: {  	p1 =	slt.u32 s9, $0xF7A;
	s5 =	simm.s32 @!p2 $0x0  }
0x1d: {  	s5 =	simm.s32 @p1 $0x1;
	p0 =	seq.s32 s7, s2  }
0x1e: {  	s7 =	smul.u32 @!p0 $0xF7A, s2;
	p2 =	seq.s32 @!p0 s5, $0x0  }
0x1f: {  	s9 =	smul.u32 $0xF7A, s1;
	s8 =	simm.s32 @!p0 $0x1BF5;
	p2 =	por !p2, p0  }
0x20: {  	[sflag:s8] =	ssyncset.s32 @!p0 $0xFFFFF086;
	s6 =	sadd.s32 @!p0 s3, s7;
	s7 =	simm.s32 @!p0 $0x108  }
0x21: {  	s3 =	sadd.s32 s3, s9;
	s6 =	sadd.s32 @!p0 $0x88, s6;
	s7 =	simm.s32 @p2 $0x1082  }
0x22: {  	[simem:s7], [sflag:s8] =	dma.local @!p0 [hbm:s6], $0xF7A  }
0x23: {  	s9 =	sor.u32 $0xD0000000, s2;
	s6 =	simm.s32 $0x108;
	_ =	swait.ge @!p0 [sflag:s8], $0x0  }
0x24: {  	s3 =	sadd.s32 $0x88, s3;
	s6 =	simm.s32 @!p1 $0x1082;
	[sflag:s4] =	ssyncset.s32 $0xFFFFF086  }
0x25: {  	[simem:s6], [sflag:s4] =	dma.local [hbm:s3], $0xF7A  }
0x26: {  	[smem:$0x3F95] =	sst s1;
	(tag) =	ssettag s2;
	_ =	strace s9  }
0x27: {  	s1 =	sld [smem:$0x3FA5]  }
0x28: {  	s2 =	sld [smem:$0x3FA6]  }
0x29: {  	s4 =	sld [smem:$0x3FA8]  }
0x2a: {  	p0 =	seq.s32 s5, $0x0;
	s5 =	sld [smem:$0x3FA9]  }
0x2b: {  	s6 =	sld [smem:$0x3FAA]  }
0x2c: {  	s7 =	sld [smem:$0x3FAB]  }
0x2d: {  	s3 =	simm.s32 $0x108;
	s8 =	sld [smem:$0x3FAC]  }
0x2e: {  	s3 =	simm.s32 @!p0 $0x1082;
	s9 =	sld [smem:$0x3FAD]  }
0x2f: {  	lr =	sadd.s32 s0, s3;
	s0 =	sld [smem:$0x3FA4]  }
0x30: {  	s3 =	sld [smem:$0x3FA7]  }
0x31: {  	[smem:$0x3FB0] =	sst s10  }
0x32: {  	s10 =	sld [smem:$0x3FAE];
	_ =	sdelay $0x3  }
0x33: {  	p0 =	seq.s32 s10, $0x1;
	s10 =	sld [smem:$0x3FB0];
	_ =	sdelay $0x3  }
0x34: {  	[smem:$0x3FB0] =	sst s10  }
0x35: {  	s10 =	sld [smem:$0x3FAF];
	_ =	sdelay $0x3  }
0x36: {  	p1 =	seq.s32 s10, $0x1;
	s10 =	sld [smem:$0x3FB0];
	_ =	sdelay $0x3  }
0x37: {  	[smem:$0x3FB0] =	sst s10  }
0x38: {  	s10 =	sld [smem:$0x3FB1]  }
0x39: {  	_ = 	snop;
	(pc) =	sbr.ind lr, $3  }
0x3a: {  	_ = 	snop  }
0x3b: {  	_ = 	snop  }
0x3c: {  	p2 =	seq.s32 s10, $0x1;
	s10 =	sld [smem:$0x3FB0]  }
0x3d: {  	_ =	shalt  }
0x3e: {  	_ =	shalt  }
0x3f: {  	_ =	shalt  }
0x40: {  	_ =	shalt  }
0x41: {  	_ =	shalt  }
0x42: {  	_ =	shalt  }
0x43: {  	_ =	shalt  }
0x44: {  	_ =	shalt  }
0x45: {  	_ =	shalt  }
0x46: {  	_ =	shalt  }
0x47: {  	_ =	shalt  }
0x48: {  	_ =	shalt  }
0x49: {  	_ =	shalt  }
0x4a: {  	_ =	shalt  }
0x4b: {  	_ =	shalt  }
0x4c: {  	_ =	shalt  }
0x4d: {  	_ =	shalt  }
0x4e: {  	_ =	shalt  }
0x4f: {  	_ =	shalt  }
0x50: {  	_ =	shalt  }
0x51: {  	_ =	shalt  }
0x52: {  	_ =	shalt  }
0x53: {  	_ =	shalt  }
0x54: {  	_ =	shalt  }
0x55: {  	_ =	shalt  }
0x56: {  	_ =	shalt  }
0x57: {  	_ =	shalt  }
0x58: {  	_ =	shalt  }
0x59: {  	_ =	shalt  }
0x5a: {  	_ =	shalt  }
0x5b: {  	_ =	shalt  }
0x5c: {  	_ =	shalt  }
0x5d: {  	_ =	shalt  }
0x5e: {  	_ =	shalt  }
0x5f: {  	_ =	shalt  }
0x60: {  	_ =	shalt  }
0x61: {  	_ =	shalt  }
0x62: {  	_ =	shalt  }
0x63: {  	_ =	shalt  }
0x64: {  	_ =	shalt  }
0x65: {  	_ =	shalt  }
0x66: {  	_ =	shalt  }
0x67: {  	_ =	shalt  }
0x68: {  	_ =	shalt  }
0x69: {  	_ =	shalt  }
0x6a: {  	_ =	shalt  }
0x6b: {  	_ =	shalt  }
0x6c: {  	_ =	shalt  }
0x6d: {  	_ =	shalt  }
0x6e: {  	_ =	shalt  }
0x6f: {  	_ =	shalt  }
0x70: {  	_ =	shalt  }
0x71: {  	_ =	shalt  }
0x72: {  	_ =	shalt  }
0x73: {  	_ =	shalt  }
0x74: {  	_ =	shalt  }
0x75: {  	_ =	shalt  }
0x76: {  	_ =	shalt  }
0x77: {  	_ =	shalt  }
0x78: {  	_ =	shalt  }
0x79: {  	_ =	shalt  }
0x7a: {  	_ =	shalt  }
0x7b: {  	_ =	shalt  }
0x7c: {  	_ =	shalt  }
0x7d: {  	_ =	shalt  }
0x7e: {  	_ =	shalt  }
0x7f: {  	_ =	shalt  }
0x80: {  	_ =	shalt  }
0x81: {  	_ =	shalt  }
0x82: {  	_ =	shalt  }
0x83: {  	_ =	shalt  }
0x84: {  	_ =	shalt  }
0x85: {  	_ =	shalt  }
0x86: {  	_ =	shalt  }
0x87: {  	_ =	shalt  }
.Lfunc_end0:
.L_simem_size_0:
called_computation_lowered:
.L_overlay_start_0:
0x88: {  	s2 =	sld [smem:$0x3FD9]  }
0x89: {  	s3 =	sld [smem:$0x3FFE];
	_ =	sdelay $0x1  }
0x8a: {  	s1 =	srdreg.scid  }
0x8b: {  	s0 =	sand.u32 $0x1, s1  }
0x8c: {  	s17 =	sshll.u32 s0, $0xA;
	s2 =	sadd.s32 s3, s2  }
0x8d: {  	s2 =	sadd.s32 s2, s17  }
0x8e: {  	[smem:$0x3FBC] =	sst s2  }
0x8f: {  	_ = 	snop  }
0x90: {  	s2 =	sld [smem:$0x3FD0];
	(tm) =	ssettm $0x1  }
0x91: {  	s18 =	sld [smem:$0x3FFB];
	_ =	sdelay $0x3  }
0x92: {  	_ =	strace s18  }
0x93: {  	s3 =	sld [smem:$0x3FFC];
	_ =	sdelay $0x3  }
0x94: {  	_ =	strace s3  }
0x95: {  	s3 =	sld [smem:$0x3FFD];
	_ =	sdelay $0x3  }
0x96: {  	_ =	strace s3  }
0x97: {  	_ =	strace $0x8FFFFFFF  }
0x98: {  	s19 =	sld [smem:$0x3FDB];
	_ =	sdelay $0x1  }
0x99: {  	s4 =	simm.s32 $_scs_section_size  }
0x9a: {  	s5 =	simm.s32 $_size__tile_overlayer_lowered;
	s6 =	simm.s32 $_tile_overlayer_lowered  }
0x9b: {  	s22 =	simm.s32 $0x1BFF;
	s21 =	sshll.u32 s6, $0x1;
	s3 =	sadd.s32 s4, s19  }
0x9c: {  	s7 =	simm.s32 $0x0;
	s20 =	sshll.u32 s5, $0x1;
	s5 =	sadd.s32 s21, s3  }
0x9d: {  	[timem:s7], [sflag:s22] =	dma.local [hbm:s5], s20  }
0x9e: {  	_ =	swait.ge [sflag:s22], s20  }
0x9f: {  	s4 =	ssub.s32 $0x0, s20;
	[sflag:s22] =	ssyncset.done $0x0  }
0xa0: {  	[sflag:s22] =	ssyncadd.s32 s4;
	_ =	sdelay $0x1  }
0xa1: {  	s23 =	simm.s32 $0x1B8B  }
0xa2: {  	_ =	swait.ge [sflag:s23], $0x1  }
0xa3: {  	[sflag:s23] =	ssyncset.done $0x0  }
0xa4: {  	s25 =	simm.s32 $0x1B8E;
	s24 =	sld [smem:$0x3FFE];
	[sflag:s23] =	ssyncadd.s32 $0xFFFFFFFF  }
0xa5: {  	s26 =	simm.s32 $execute0_lowered;
	[smem:$0x3FD2] =	sst s25  }
0xa6: {  	s5 =	sshll.u32 s26, $0x1;
	_ =	strace $0x80000046;
	[dreg:$0x1] =	wrdreg $0xFFFFFFFF  }
0xa7: {  	s28 =	simm.s32 $_size_execute0_lowered;
	s3 =	sadd.s32 s3, s5;
	[dreg:$0x0] =	wrdreg $0x0  }
0xa8: {  	s5 =	sshll.u32 s28, $0x1;
	[dreg:$0x2] =	wrdreg s3  }
0xa9: {  	[dreg:$0x3] =	wrdreg s5  }
0xaa: {  	[dreg:$0x4] =	wrdreg $0xC0  }
0xab: {  	_ =	task [dreg:s7], $0x5FFFF  }
0xac: {  	[dreg:$0x1] =	wrdreg $0xFFFFFFFF  }
0xad: {  	[dreg:$0x0] =	wrdreg $0x60  }
0xae: {  	[dreg:$0x2] =	wrdreg s24  }
0xaf: {  	[dreg:$0x3] =	wrdreg s2  }
0xb0: {  	[dreg:$0x4] =	wrdreg $0x9  }
0xb1: {  	_ =	task.clear_ibuf [dreg:s7], $0x5FFFF;
	_ =	strace $0x90000046  }
0xb2: {  	s29 =	simm.s32 $0x9;
	_ =	strace $0x80000048  }
0xb3: {  	_ =	swait.ge [sflag:s29], $0x1  }
0xb4: {  	[sflag:s29] =	ssyncadd.s32 $0xFFFFFFFF  }
0xb5: {  	_ =	strace $0x90000048  }
0xb6: {  	_ =	sfence  }
0xb7: {  	s30 =	sld [smem:$0x0];
	_ =	sdelay $0x2  }
0xb8: {  	s31 =	sshll.u32 s1, $0xD;
	s1 =	sshrl.u32 s1, $0x2  }
0xb9: {  	s3 =	sand.u32 $0x4000, s31;
	s1 =	sadd.s32 s1, s30  }
0xba: {  	s0 =	sor.u32 s3, s0;
	s1 =	sshll.u32 s1, $0x11  }
0xbb: {  	s0 =	sor.u32 s1, s0  }
0xbc: {  	s0 =	sadd.s32 $0x8F2B, s0  }
0xbd: {  	[sflag:s0] =	ssyncadd.remote.s32 $0x1  }
0xbe: {  	_ =	sfence.sel $0xFFFF  }
0xbf: {  	[dreg:$0x0] =	wrdreg $0xFFFFFFFF;
	(pc) =	sbr.abs _section_cstart, $3  }
0xc0: {  	[dreg:$0x1] =	wrdreg $0xFFFFFFFF  }
0xc1: {  	_ =	task.clear_ibuf [dreg:s7], $0x2FFFF;
	_ =	strace $0x9FFFFFFF  }
0xc2: {  	(tm) =	ssettm $0x7FFFFFFF  }
0xc3: {  	_ =	shalt  }
tec
execute0_lowered:
.L_overlay_start_1:
0x0: {  	(tag) =	ssettag $0x1  }
0x1: {  	s8 =	rddreg [dreg:$0x0]  }
0x2: {  	s1 =	rddreg [dreg:$0x1];
	s2 =	simm.s32 $0x0;
	s3 =	srdreg.scid  }
0x3: {  	s13 =	simm.s32 $0x8280;
	s14 =	simm.s32 $0x1;
	s16 =	simm.s32 $0x8300  }
0x4: {  	s17 =	simm.s32 $0x0;
	[smem:$0x7FF] =	sst s2;
	s4 =	sadd.s32 $0x1A00, s8  }
0x5: {  	s5 =	sadd.s32 $0x43000, s8;
	s9 =	sand.u32 $0x1, s3;
	s6 =	sadd.s32 $0x42E00, s8  }
.Ltmp0:
0x6: {  	s3 =	stileid.u32;
	s7 =	sadd.s32 $0x42C00, s8;
	(pc) =	sbr.rel .LBB2_1-.Ltmp0, $4  }
0x7: {  	s8 =	sadd.s32 $0x42A00, s8;
	s10 =	ssub.s32 $0x2, s9;
	s12 =	sshll.u32 s3, $0x1  }
0x8: {  	_ =	strace $0x80000047;
	s11 =	sshrl.u32 s10, $0x1;
	s15 =	sor.u32 s9, s12  }
0x9: {  	s12 =	simm.s32 $0x8200;
	s10 =	ssub.s32 s10, s11;
	s11 =	simm.s32 $0x8180  }
0xa: {  	v1 =	vlaneseq.u32;
	v0 =	vmov s15;
	s15 =	simm.s32 $0x2;
	s9 =	smax.u32 s10, $0x1;
	s10 =	simm.s32 $0x8100  }
.LBB2_16:
0xb: {  	[sflag:s14] =	ssyncadd.s32 $0xFFFFF000  }
.LBB2_17:
0xc: {  	s17 =	sadd.s32 $0x1, s17  }
0xd: {  	p0 =	sne.s32 s17, s9  }
.Ltmp1:
0xe: {  	_ = 	snop;
	(pc) =	sbr.rel @!p0 .LBB2_18-.Ltmp1, $4  }
0xf: {  	s0 =	simm.s32 @!p1 $0x1  }
0x10: {  	_ =	swait.ge @!p1 [sflag:s0], $0xC00  }
0x11: {  	[sflag:s0] =	ssyncset.done @!p1 $0x0  }
0x12: {  	[sflag:s0] =	ssyncadd.s32 @!p1 $0xFFFFF400  }
.LBB2_1:
0x13: {  	[tilespmem:s10], [sflag:$0x1] =	stream.linear.gather [hbm4b:s5+s2], $0x80, $0x38;
	[tilespmem:$0x12300] =	vst v63  }
0x14: {  	_ = 	snop  }
0x15: {  	[tilespmem:s11], [sflag:$0x1] =	stream.linear.gather [hbm4b:s6+s2], $0x80, $0x38;
	[tilespmem:$0x12300] =	vst v63  }
0x16: {  	_ = 	snop  }
0x17: {  	[tilespmem:s12], [sflag:$0x1] =	stream.linear.gather [hbm4b:s7+s2], $0x80, $0x38;
	[tilespmem:$0x12300] =	vst v63  }
0x18: {  	_ = 	snop  }
0x19: {  	[tilespmem:s13], [sflag:$0x1] =	stream.linear.gather [hbm4b:s8+s2], $0x80, $0x38;
	[tilespmem:$0x12300] =	vst v63  }
0x1a: {  	_ =	swait.ge [sflag:s14], $0x80  }
0x1b: {  	[sflag:s14] =	ssyncset.done $0x0  }
0x1c: {  	[sflag:s14] =	ssyncadd.s32 $0xFFFFFF80  }
0x1d: {  	_ =	swait.ge [sflag:s14], $0x80  }
0x1e: {  	[sflag:s14] =	ssyncset.done $0x0  }
0x1f: {  	[sflag:s14] =	ssyncadd.s32 $0xFFFFFF80  }
0x20: {  	_ =	swait.ge [sflag:s14], $0x80  }
0x21: {  	[sflag:s14] =	ssyncset.done $0x0  }
0x22: {  	[sflag:s14] =	ssyncadd.s32 $0xFFFFFF80  }
0x23: {  	_ =	swait.ge [sflag:s14], $0x80  }
0x24: {  	[sflag:s14] =	ssyncset.done $0x0  }
0x25: {  	[sflag:s14] =	ssyncadd.s32 $0xFFFFFF80  }
0x26: {  	v2 =	vld.idx.msk [tilespmem:v0+s12+$0x0], $0xffff  }
0x27: {  	v3 =	vld.idx.msk [tilespmem:v0+s13+$0x0], $0xffff  }
0x28: {  	v4 =	vld.idx.msk [tilespmem:v0+s10+$0x0], $0xffff;
	_ =	sdelay $0x2  }
0x29: {  	v2 =	vxor.u32 $0x80000000, v2  }
0x2a: {  	(xrf0) =	vmax.scan.msk.u32 $0xffff, v2;
	v2 =	vxor.u32 $0x80000000, v3  }
0x2b: {  	(xrf0) =	vmax.scan.msk.u32 $0xffff, v2;
	v2 =	vxor.u32 $0x80000000, v4  }
0x2c: {  	(xrf0) =	vmax.scan.msk.u32 $0xffff, v2;
	_ =	sdelay $0x3  }
0x2d: {  	v2, _, _ =	vpop (xrf0)  }
0x2e: {  	v3, _, _ =	vpop (xrf0);
	(v2sf) =	vpush v2, $0xF  }
0x2f: {  	(v2sf) =	vpush v3, $0xF;
	v2, _, _ =	vpop (xrf0)  }
0x30: {  	(v2sf) =	vpush v2, $0xF;
	_ =	sdelay $0xc  }
0x31: {  	s18 =	spop (v2sf)  }
0x32: {  	s19 =	spop (v2sf)  }
0x33: {  	s21 =	spop (v2sf)  }
0x34: {  	s20 =	sshll.u32 s21, $0x8  }
0x35: {  	s20 =	sand.u32 $0x1FFFFF00, s20  }
0x36: {  	s20 =	sadd.s32 s4, s20  }
0x37: {  	v2 =	vld.idx.msk [tilespmem:v0+s11+$0x0], $0xffff;
	[tilespmem:s2], [sflag:$0x2] =	stream.linear.gather [hbm4b:s20+s2], $0x8000, $0x38  }
0x38: {  	s20 =	sxor.u32 $0x80000000, s18  }
0x39: {  	p0 =	slt.s32 s20, $0x1  }
.Ltmp2:
0x3a: {  	_ = 	snop;
	(pc) =	sbr.rel @p0 .LBB2_10-.Ltmp2, $4  }
0x3b: {  	_ = 	snop  }
0x3c: {  	_ =	swait.ge [sflag:s15], $0x8000  }
0x3d: {  	[sflag:s15] =	ssyncset.done $0x0  }
0x3e: {  	[sflag:s15] =	ssyncadd.s32 $0xFFFF8000  }
0x3f: {  	v2 =	vxor.u32 $0x80000000, v2  }
0x40: {  	(xrf0) =	vmax.scan.msk.u32 $0xffff, v2;
	_ =	sdelay $0x5  }
0x41: {  	v2, _, _ =	vpop (xrf0)  }
0x42: {  	(v2sf) =	vpush v2, $0xF;
	_ =	sdelay $0xb  }
.Ltmp3:
0x43: {  	_ = 	snop;
	(pc) =	sbr.rel .LBB2_3-.Ltmp3, $3  }
0x44: {  	_ =	sdelay $0x1  }
0x45: {  	s21 =	sxor.u32 $0x80000000, s21;
	s22 =	spop (v2sf)  }
0x46: {  	s23 =	simm.s32 $0x0;
	s24 =	smov.u32 s21;
	s22 =	sxor.u32 $0x80000000, s22  }
.LBB2_5:
0x47: {  	_ = 	snop  }
.LBB2_8:
0x48: {  	_ =	sdelay $0x1  }
0x49: {  	v4 =	vadd.s32 v6, v4  }
0x4a: {  	vm1 =	vgt.s32 v4, $0x0  }
0x4b: {  	v10 =	vsub.s32 v6, v2;
	s0 =	sadd.s32 s26, s28;
	v4 =	vnsel vm1, $0x0, v4  }
0x4c: {  	vm15 =	vge.s32 v6, v2;
	s31 =	sand.u32 $0x70, s26;
	[tilespmem:v8+s16+$0x0] =	vst.idx.msk @p0 vm0, v5;
	vm2 =	vlt.s32 v10, v3;
	s28 =	sand.u32 $0xFFFFFF80, s0;
	s0 =	sadd.s32 $0x400, s0;
	v2 =	vshll.u32 v4, $0x1  }
0x4d: {  	[tilespmem:v9+s16+$0x0] =	vst.idx.msk @p0 vm0, v7;
	vm1 =	vmand vm15, vm2;
	s28 =	sor.u32 s31, s28;
	s0 =	sand.u32 $0xFFFFFF80, s0;
	v3 =	vand.u32 $0x7F, v4;
	v2 =	vand.u32 $0xFFFFFF00, v2  }
0x4e: {  	v62 =	vld [tilespmem:s28+$0x0];
	s0 =	sor.u32 s31, s0;
	v2 =	vor.u32 v3, v2  }
0x4f: {  	v3 =	vld [tilespmem:s0+$0x0];
	v63 =	vor.u32 $0x80, v2;
	_ =	sdelay $0x3  }
0x50: {  	[tilespmem:v2+s16+$0x0] =	vst.idx.msk vm1, v62  }
0x51: {  	[tilespmem:v63+s16+$0x0] =	vst.idx.msk vm1, v3  }
.LBB2_9:
0x52: {  	s23 =	sadd.s32 s23, s25  }
0x53: {  	p1 =	slt.s32 s23, s20  }
.Ltmp4:
0x54: {  	_ = 	snop;
	(pc) =	sbr.rel @!p1 .LBB2_10-.Ltmp4, $4  }
0x55: {  	s22 =	sadd.s32 s22, s25  }
0x56: {  	s0 =	simm.s32 $0x1;
	p0 =	sge.s32 s22, s24  }
0x57: {  	s0 =	simm.s32 @!p0 $0x0  }
0x58: {  	s22 =	simm.s32 @p0 $0x0;
	s24 =	sadd.s32 s0, s24  }
.LBB2_3:
0x59: {  	s26 =	smov.u32 s21;
	s21 =	sadd.s32 $0x10, s21  }
0x5a: {  	p0 =	slt.s32 s24, s21  }
0x5b: {  	s25 =	sshll.u32 @!p0 s21, $0x8  }
0x5c: {  	s25 =	sand.u32 @!p0 $0x1FFFFF00, s25  }
0x5d: {  	s28 =	simm.s32 @!p0 $0x0;
	s25 =	sadd.s32 @!p0 s4, s25  }
0x5e: {  	[tilespmem:s28], [sflag:$0x2] =	stream.linear.gather @!p0 [hbm4b:s25+s28], $0x8000, $0x38;
	[tilespmem:$0x12300] =	vst v63  }
0x5f: {  	s28 =	ssub.s32 s24, s22;
	s25 =	ssub.s32 s20, s23  }
0x60: {  	p1 =	slt.s32 s28, s25  }
0x61: {  	s31 =	sand.u32 $0xF, s22;
	s25 =	smov.u32 @p1 s28  }
0x62: {  	s28 =	sadd.s32 s25, s31  }
0x63: {  	s28 =	sadd.s32 $0xF, s28  }
0x64: {  	s29 =	sand.u32 $0xF, s28  }
0x65: {  	s30 =	sshra.s32 s28, $0x1F;
	p6 =	slt.s32 s28, $0x1;
	p2 =	sne.s32 s29, $0x0  }
0x66: {  	s29 =	sshrl.u32 s30, $0x1C;
	p1 =	por !p6, !p2  }
0x67: {  	s28 =	sadd.s32 s29, s28;
	s29 =	simm.s32 $0x1;
	p1 =	por !p1, !p1  }
0x68: {  	s28 =	sshra.s32 s28, $0x4;
	s29 =	simm.s32 @!p1 $0x0  }
0x69: {  	s29 =	ssub.s32 s28, s29  }
0x6a: {  	p1 =	slt.s32 s29, $0x1  }
.Ltmp5:
0x6b: {  	_ = 	snop;
	(pc) =	sbr.rel @p1 .LBB2_9-.Ltmp5, $4  }
0x6c: {  	s30 =	simm.s32 @!p0 $0x2  }
0x6d: {  	_ =	swait.ge @!p0 [sflag:s30], $0x8000  }
0x6e: {  	[sflag:s30] =	ssyncset.done @!p0 $0x0  }
0x6f: {  	s21 =	smov.u32 @p0 s26;
	[sflag:s30] =	ssyncadd.s32 @!p0 $0xFFFF8000  }
0x70: {  	p1 =	sne.s32 s29, $0x1  }
.Ltmp6:
0x71: {  	_ = 	snop;
	(pc) =	sbr.rel @!p1 .LBB2_5-.Ltmp6, $3  }
0x72: {  	_ =	sdelay $0x1  }
0x73: {  	s26 =	sand.u32 $0xFFFFFFF0, s22;
	s28 =	ssub.s32 s24, s21;
	v2 =	vmov s22;
	s30 =	ssub.s32 s23, s22  }
0x74: {  	v3 =	vmov s25;
	s29 =	sadd.s32 $0xFFFFFFFF, s29;
	p0 =	por $0x0, $0x0;
	s28 =	sshll.u32 s28, $0xB;
	v4 =	vmov s30;
	v6 =	vor.u32 s26, v1  }
0x75: {  	v5 =	vadd.s32 v6, v4  }
0x76: {  	p1 =	sne.s32 s29, $0x1;
	vm0 =	vgt.s32 v5, $0x0  }
.Ltmp7:
0x77: {  	s30 =	sadd.s32 s26, s28;
	v8 =	vsub.s32 v6, v2;
	v5 =	vnsel vm0, $0x0, v5;
	(pc) =	sbr.rel @!p1 .LBB2_8-.Ltmp7, $4  }
0x78: {  	s0 =	sand.u32 $0x70, s26;
	s31 =	sand.u32 $0xFFFFFF80, s30;
	s30 =	sadd.s32 $0x400, s30;
	vm1 =	vlt.s32 v8, v3;
	vm0 =	vge.s32 v6, v2;
	v7 =	vshll.u32 v5, $0x1  }
0x79: {  	s31 =	sor.u32 s0, s31;
	s30 =	sand.u32 $0xFFFFFF80, s30;
	v9 =	vand.u32 $0x7F, v5;
	vm0 =	vmand vm0, vm1;
	v7 =	vand.u32 $0xFFFFFF00, v7  }
0x7a: {  	s26 =	sadd.s32 $0x10, s26;
	v5 =	vld [tilespmem:s31+$0x0];
	s0 =	sor.u32 s0, s30;
	v8 =	vor.u32 v9, v7  }
0x7b: {  	s29 =	sadd.s32 $0xFFFFFFFF, s29;
	p0 =	por $0x1, $0x1;
	v6 =	vor.u32 s26, v1;
	v7 =	vld [tilespmem:s0+$0x0];
	v9 =	vor.u32 $0x80, v8  }
.LBB2_7:
0x7c: {  	p1 =	sne.s32 s29, $0x1;
	v10 =	vadd.s32 v6, v4  }
0x7d: {  	vm1 =	vgt.s32 v10, $0x0  }
.Ltmp8:
0x7e: {  	v11 =	vsub.s32 v6, v2;
	s0 =	sadd.s32 s26, s28;
	v10 =	vnsel vm1, $0x0, v10;
	(pc) =	sbr.rel @p1 .LBB2_7-.Ltmp8, $4  }
0x7f: {  	s31 =	sand.u32 $0x70, s26;
	vm2 =	vlt.s32 v11, v3;
	s30 =	sand.u32 $0xFFFFFF80, s0;
	s0 =	sadd.s32 $0x400, s0;
	vm1 =	vge.s32 v6, v2;
	v6 =	vshll.u32 v10, $0x1;
	[tilespmem:v8+s16+$0x0] =	vst.idx.msk vm0, v5  }
0x80: {  	s30 =	sor.u32 s31, s30;
	s0 =	sand.u32 $0xFFFFFF80, s0;
	v8 =	vand.u32 $0x7F, v10;
	v6 =	vand.u32 $0xFFFFFF00, v6;
	[tilespmem:v9+s16+$0x0] =	vst.idx.msk vm0, v7;
	vm0 =	vmand vm1, vm2  }
0x81: {  	s26 =	sadd.s32 $0x10, s26;
	s0 =	sor.u32 s31, s0;
	v5 =	vld [tilespmem:s30+$0x0];
	v8 =	vor.u32 v8, v6  }
0x82: {  	s29 =	sadd.s32 $0xFFFFFFFF, s29;
	v6 =	vor.u32 s26, v1;
	v7 =	vld [tilespmem:s0+$0x0];
	v9 =	vor.u32 $0x80, v8  }
.Ltmp9:
0x83: {  	_ = 	snop;
	(pc) =	sbr.rel .LBB2_8-.Ltmp9, $1  }
0x84: {  	_ =	sdelay $0x3  }
.LBB2_10:
0x85: {  	s20 =	sshra.s32 s20, $0xB  }
0x86: {  	p0 =	slt.s32 s20, $0x1  }
.Ltmp10:
0x87: {  	_ = 	snop;
	(pc) =	sbr.rel @p0 .LBB2_13-.Ltmp10, $2  }
0x88: {  	_ =	sdelay $0x2  }
0x89: {  	s19 =	sshll.u32 s19, $0x8;
	s21 =	simm.s32 $0x8300  }
0x8a: {  	p1 =	sne.s32 s20, $0x1  }
.Ltmp11:
0x8b: {  	_ = 	snop;
	(pc) =	sbr.rel @!p1 .LBB2_13-.Ltmp11, $4  }
0x8c: {  	_ = 	snop  }
0x8d: {  	s0 =	sshrl.u32 s19, $0x3  }
0x8e: {  	s22 =	sadd.s32 $0xFFFFFFFF, s20;
	s23 =	sadd.s32 $0x1000, s19;
	s0 =	sadd.s32 s1, s0  }
0x8f: {  	[hbm4b:s0+s2] =	stream.linear.scatter [tilespmem:s21], [sflag:$0x1], $0x1000, $0x38;
	[tilespmem:$0x12300] =	vst v63  }
.LBB2_12:
0x90: {  	s0 =	sshrl.u32 s23, $0x3;
	p1 =	sne.s32 s22, $0x1;
	s22 =	sadd.s32 $0xFFFFFFFF, s22  }
.Ltmp12:
0x91: {  	s21 =	sadd.s32 $0x1000, s21;
	s0 =	sadd.s32 s1, s0;
	(pc) =	sbr.rel @p1 .LBB2_12-.Ltmp12, $3  }
0x92: {  	[hbm4b:s0+s2] =	stream.linear.scatter [tilespmem:s21], [sflag:$0x1], $0x1000, $0x38;
	[tilespmem:$0x12300] =	vst v63  }
0x93: {  	_ =	sdelay $0x1  }
0x94: {  	s23 =	sadd.s32 $0x1000, s23  }
.LBB2_13:
0x95: {  	s0 =	sand.u32 $0x7FF, s18  }
0x96: {  	p1 =	seq.s32 s0, $0x0  }
.Ltmp13:
0x97: {  	s0 =	sshll.u32 @!p1 s20, $0xC;
	(pc) =	sbr.rel @p0 .LBB2_17-.Ltmp13, $4  }
0x98: {  	s18 =	sadd.s32 @!p1 s19, s0  }
0x99: {  	s18 =	sshrl.u32 @!p1 s18, $0x3  }
0x9a: {  	s0 =	sadd.s32 @!p1 $0x8300, s0;
	s19 =	simm.s32 @!p1 $0x0;
	s18 =	sadd.s32 @!p1 s1, s18  }
0x9b: {  	[hbm4b:s18+s19] =	stream.linear.scatter @!p1 [tilespmem:s0], [sflag:$0x1], $0xC00, $0x38;
	[tilespmem:$0x12300] =	vst v63  }
0x9c: {  	p0 =	sne.s32 s20, $0x1  }
.Ltmp14:
0x9d: {  	_ = 	snop;
	(pc) =	sbr.rel @!p0 .LBB2_16-.Ltmp14, $3  }
0x9e: {  	_ =	sdelay $0x1  }
0x9f: {  	_ =	swait.ge [sflag:s14], $0x1000  }
0xa0: {  	s18 =	sadd.s32 $0xFFFFFFFF, s20;
	[sflag:s14] =	ssyncset.done $0x0  }
.LBB2_15:
0xa1: {  	p0 =	sne.s32 s18, $0x1;
	s18 =	sadd.s32 $0xFFFFFFFF, s18;
	[sflag:s14] =	ssyncadd.s32 $0xFFFFF000  }
.Ltmp15:
0xa2: {  	(pc) =	sbr.rel @p0 .LBB2_15-.Ltmp15, $3  }
0xa3: {  	_ =	sdelay $0x1  }
0xa4: {  	_ =	swait.ge [sflag:s14], $0x1000  }
0xa5: {  	[sflag:s14] =	ssyncset.done $0x0  }
.Ltmp16:
0xa6: {  	_ = 	snop;
	(pc) =	sbr.rel .LBB2_16-.Ltmp16, $1  }
0xa7: {  	_ =	sdelay $0x3  }
.LBB2_18:
0xa8: {  	_ =	sfence.sel $0x180000  }
0xa9: {  	[bflag:$0x0] =	sbarrier.arrive $0xFFFF  }
0xaa: {  	_ =	strace $0x90000047  }
0xab: {  	[bflag:$0x2] =	sbarrier.arrive $0xFFFF  }
0xac: {  	p0 =	sne.s32 s3, $0x0;
	s0 =	rddreg [dreg:$0x2]  }
0xad: {  	s0 =	sadd.s32 @!p0 $0x100000, s0  }
0xae: {  	[sflag:s0] =	ssyncadd.tile.s32 @!p0 $0x1;
	_ =	shalt  }
.Lfunc_end2:
_tile_overlayer_lowered:
.L_overlay_start_2:
0xaf: {  	(tag) =	ssettag $0x2  }
0xb0: {  	s0 =	rddreg [dreg:$0x0];
	s2 =	stileid.u32  }
0xb1: {  	s1 =	rddreg [dreg:$0x1];
	p0 =	sne.s32 s2, $0x0  }
0xb2: {  	s3 =	rddreg [dreg:$0x2];
	[bflag:$0x3] =	sbarrier.arrive $0xFFFF;
	s2 =	simm.s32 @!p0 $0x1C02  }
0xb3: {  	[timem:s3], [sflag:s2] =	dma.local @!p0 [hbm:s0], s1  }
0xb4: {  	s0 =	simm.s32 @!p0 $0x2  }
0xb5: {  	_ =	swait.ge @!p0 [sflag:s0], s1  }
0xb6: {  	s1 =	ssub.s32 @!p0 $0x0, s1;
	[sflag:s0] =	ssyncset.done @!p0 $0x0  }
0xb7: {  	[sflag:s0] =	ssyncadd.s32 @!p0 s1  }
0xb8: {  	[bflag:$0x3] =	sbarrier.arrive $0xFFFF  }
0xb9: {  	_ =	shalt  }

</sc_bundles>
